<compile_context>
chip_gen: v7x
topology: tpu7x:2x2x1
jax: 0.10.2.dev20260603
libtpu: 0.0.44.dev20260713+nightly
codegen_flags: <defaults>
</compile_context>

<pallas_src>
import functools

import jax
import jax.numpy as jnp
from jax import lax
from jax.experimental import pallas as pl
from jax.experimental.pallas import tpu as pltpu
from jax.experimental.pallas import tpu_sc as plsc


_LIN_BI = 25600


def _linearize_kernel(svt_ref, o_ref):
    rank = svt_ref.shape[0]
    bog = o_ref.shape[0]
    pk = 128 // rank
    x = svt_ref[...]
    eye = jnp.eye(rank, dtype=jnp.float32)
    acc = None
    for k in range(pk):
        ek = jnp.pad(eye, ((0, 0), (rank * k, rank * (pk - 1 - k))))
        y = lax.dot_general(x[:, k * bog:(k + 1) * bog], ek,
                            dimension_numbers=(((0,), (0,)), ((), ())),
                            preferred_element_type=jnp.float32)
        acc = y if acc is None else acc + y
    o_ref[...] = acc


def _linearize(SVt):
    rank, vocab = SVt.shape
    pk = 128 // rank
    bi = _LIN_BI
    bog = bi // pk
    n_blk = pl.cdiv(vocab, bi)
    return pl.pallas_call(
        _linearize_kernel,
        grid=(n_blk,),
        in_specs=[pl.BlockSpec((rank, bi), lambda i: (0, i))],
        out_specs=pl.BlockSpec((bog, 128), lambda i: (i, 0)),
        out_shape=jax.ShapeDtypeStruct((n_blk * bog, 128), jnp.float32),
    )(SVt)


def _matmul_kernel(g_ref, d4_ref, o_ref):
    r = jnp.dot(g_ref[...], d4_ref[...], preferred_element_type=jnp.float32)
    o_ref[...] = r.reshape(o_ref.shape)


def _apply_d4(gp4, D4, embed):
    m4, k = gp4.shape
    e4 = D4.shape[1]
    pk = e4 // embed
    bm = 6400
    assert m4 % bm == 0
    return pl.pallas_call(
        _matmul_kernel,
        grid=(m4 // bm,),
        in_specs=[
            pl.BlockSpec((bm, k), lambda i: (i, 0)),
            pl.BlockSpec((k, e4), lambda i: (0, 0)),
        ],
        out_specs=pl.BlockSpec((bm * pk, embed), lambda i: (i, 0)),
        out_shape=jax.ShapeDtypeStruct((m4 * pk, embed), jnp.float32),
    )(gp4, D4)


def _make_gather(n, rank, n_workers, chunk, nbuf):
    per_w = n // n_workers
    n_chunks = per_w // chunk
    n_groups = n_chunks // nbuf
    assert per_w % chunk == 0 and n_chunks % nbuf == 0 and n_groups >= 2
    mesh = plsc.VectorSubcoreMesh(core_axis_name="c", subcore_axis_name="s")
    info = plsc.get_sparse_core_info()
    nc = info.num_cores

    scratch = ([pltpu.VMEM((per_w,), jnp.int32)]
               + [pltpu.VMEM((chunk, rank), jnp.float32)] * nbuf
               + [pltpu.SemaphoreType.DMA] * (2 * nbuf))

    @functools.partial(
        pl.kernel,
        mesh=mesh,
        out_type=jax.ShapeDtypeStruct((n, rank), jnp.float32),
        scratch_types=scratch,
        compiler_params=pltpu.CompilerParams(use_tc_tiling_on_sc=False),
    )
    def gather(sv_hbm, idx_hbm, out_hbm, idx_v, *bufsems):
        bufs = bufsems[:nbuf]
        gsems = bufsems[nbuf:2 * nbuf]
        wsems = bufsems[2 * nbuf:]
        wid = lax.axis_index("s") * nc + lax.axis_index("c")
        base = wid * per_w

        def fire_gather(c, b):
            pltpu.async_copy(
                sv_hbm.at[idx_v.at[pl.ds(c * chunk, chunk)]], bufs[b],
                gsems[b])

        def wait_gather(c, b):
            pltpu.make_async_copy(
                sv_hbm.at[idx_v.at[pl.ds(c * chunk, chunk)]], bufs[b],
                gsems[b]).wait()

        def fire_write(c, b):
            pltpu.async_copy(
                bufs[b], out_hbm.at[pl.ds(base + c * chunk, chunk), :],
                wsems[b])

        def wait_write(c, b):
            pltpu.make_async_copy(
                bufs[b], out_hbm.at[pl.ds(base + c * chunk, chunk), :],
                wsems[b]).wait()

        pltpu.sync_copy(idx_hbm.at[pl.ds(base, per_w)], idx_v)

        for b in range(nbuf - 1):
            fire_gather(b, b)

        wait_gather(0, 0)
        fire_write(0, 0)
        fire_gather(nbuf - 1, nbuf - 1)
        for b in range(1, nbuf):
            wait_gather(b, b)
            fire_write(b, b)
            wait_write(b - 1, (b - 1) % nbuf)
            fire_gather(b + nbuf - 1, (b - 1) % nbuf)

        def body(p, carry):
            c0 = p * nbuf
            for b in range(nbuf):
                c = c0 + b
                bp = (b + nbuf - 1) % nbuf
                wait_gather(c, b)
                fire_write(c, b)
                wait_write(c - 1, bp)
                fire_gather(c + nbuf - 1, bp)
            return carry

        lax.fori_loop(1, n_groups - 1, body, 0)

        c0 = (n_groups - 1) * nbuf
        wait_gather(c0, 0)
        fire_write(c0, 0)
        wait_write(c0 - 1, nbuf - 1)
        fire_gather(c0 + nbuf - 1, nbuf - 1)
        for b in range(1, nbuf):
            wait_gather(c0 + b, b)
            fire_write(c0 + b, b)
        for b in range(nbuf):
            wait_write(c0 + b, b)

    return gather


def kernel(SV, D, idx):
    b, l = idx.shape
    vocab, rank = SV.shape
    embed = D.shape[1]
    n = b * l
    idx_flat = idx.T.reshape(-1).astype(jnp.int32)
    pk = 128 // rank
    bi = _LIN_BI
    bog = bi // pk
    blk_i = idx_flat // bi
    u = idx_flat % bi
    idx_tab = blk_i * bi + (u % bog) * pk + u // bog
    gather = _make_gather(n, rank, n_workers=32, chunk=128, nbuf=5)
    lin = _linearize(SV.T)
    vocab_pad = lin.shape[0] * pk
    sv_rows = lin.reshape(-1).reshape(vocab_pad, rank)
    gp = gather(sv_rows, idx_tab)
    gp4 = gp.reshape(n // pk, pk * rank)
    D4 = jnp.kron(jnp.eye(pk, dtype=jnp.float32), D)
    out = _apply_d4(gp4, D4, embed)
    return out.reshape(l, b, embed).transpose(1, 0, 2)

# --- scband reference (transcript-rebuilt; emitter-appended) ---
"""Pipeline reference for scband-apx-svd-56435870270007 (READ-ONLY COPY).

The authoritative reference and input builder live on the scoring server;
editing this copy changes nothing except your own understanding.
"""

import jax, jax.numpy as jnp
import numpy as np

VOCAB = 100000
EMBED_DIM = 128
RANK = 32
B, L = 4096, 50

def setup_inputs(seed: int = 0) -> dict:
    key = jax.random.key(seed)
    k1, k2, k3 = jax.random.split(key, 3)
    # Emulate the SVD factorization of a [VOCAB, EMBED_DIM] embedding table.
    # ApxSVD stores SV = U[:, :n] * S[:n]  (shape [VOCAB, RANK]) and D = Vt[:n] (shape [RANK, EMBED_DIM]).
    # We materialize the factors directly with matching shapes/scales.
    SV = jax.random.normal(k1, (VOCAB, RANK), dtype=jnp.float32)
    D = jax.random.normal(k2, (RANK, EMBED_DIM), dtype=jnp.float32)
    idx = jax.random.randint(k3, (B, L), 0, VOCAB, dtype=jnp.int64)
    return {"SV": SV, "D": D, "idx": idx}

def reference(SV, D, idx):
    # out = self.SV[idx] @ self.D
    gathered = jnp.take(SV, idx, axis=0)          # [B, L, RANK] gather
    out = gathered @ D                            # [B, L, EMBED_DIM]
    return out

if __name__ == "__main__":
    import jax
    _d = setup_inputs()
    print(jax.jit(kernel)(*tuple(_d.values())))

</pallas_src>

<mosaic_0001>
#map = affine_map<(d0, d1) -> (0, 0)>
#map1 = affine_map<(d0, d1) -> (0)>
module attributes {stable_mosaic.version = 14 : i64} {
  func.func @gather(%arg0: i32, %arg1: i32, %arg2: memref<102400x32xf32, #tpu.memory_space<hbm>>, %arg3: memref<204800xi32, #tpu.memory_space<hbm>>, %arg4: memref<204800x32xf32, #tpu.memory_space<hbm>>, %arg5: memref<6400xi32, #tpu.memory_space<vmem>>, %arg6: memref<128x32xf32, #tpu.memory_space<vmem>>, %arg7: memref<128x32xf32, #tpu.memory_space<vmem>>, %arg8: memref<128x32xf32, #tpu.memory_space<vmem>>, %arg9: memref<128x32xf32, #tpu.memory_space<vmem>>, %arg10: memref<128x32xf32, #tpu.memory_space<vmem>>, %arg11: memref<!tpu.dma_semaphore, #tpu.memory_space<semaphore_mem>>, %arg12: memref<!tpu.dma_semaphore, #tpu.memory_space<semaphore_mem>>, %arg13: memref<!tpu.dma_semaphore, #tpu.memory_space<semaphore_mem>>, %arg14: memref<!tpu.dma_semaphore, #tpu.memory_space<semaphore_mem>>, %arg15: memref<!tpu.dma_semaphore, #tpu.memory_space<semaphore_mem>>, %arg16: memref<!tpu.dma_semaphore, #tpu.memory_space<semaphore_mem>>, %arg17: memref<!tpu.dma_semaphore, #tpu.memory_space<semaphore_mem>>, %arg18: memref<!tpu.dma_semaphore, #tpu.memory_space<semaphore_mem>>, %arg19: memref<!tpu.dma_semaphore, #tpu.memory_space<semaphore_mem>>, %arg20: memref<!tpu.dma_semaphore, #tpu.memory_space<semaphore_mem>>) attributes {dimension_semantics = [#tpu.dimension_semantics<core_parallel>, #tpu.dimension_semantics<subcore_parallel>], iteration_bounds = array<i64: 2, 16>, scalar_prefetch = 0 : i64, scratch_operands = 16 : i64, tpu.core_type = #tpu.core_type<sc_vector_subcore>, window_params = [{transform_indices = #map}, {transform_indices = #map1}, {transform_indices = #map}]} {
    %mul3A = arith.constant 2 : i32
    %mul3A_0 = arith.muli %arg1, %mul3A : i32
    %add3A = arith.addi %mul3A_0, %arg0 : i32
    %mul3A_1 = arith.constant 6400 : i32
    %mul3A_2 = arith.muli %add3A, %mul3A_1 : i32
    "tpu.region"() ({
      %run_scoped3A = tpu.sem_alloc : memref<!tpu.dma_semaphore, #tpu.memory_space<semaphore_mem>>
      %dma_start3A_226 = tpu.memref_slice %arg3[%mul3A_2] : memref<204800xi32, #tpu.memory_space<hbm>> -> memref<6400xi32, #tpu.memory_space<hbm>>
      %dma_start3A_227 = tpu.memref_slice %arg3[%mul3A_2] : memref<204800xi32, #tpu.memory_space<hbm>> -> memref<6400xi32, #tpu.memory_space<hbm>>
      tpu.enqueue_dma source(%dma_start3A_227 : memref<6400xi32, #tpu.memory_space<hbm>>) target(%arg5 : memref<6400xi32, #tpu.memory_space<vmem>>) target_semaphore(%run_scoped3A : memref<!tpu.dma_semaphore, #tpu.memory_space<semaphore_mem>>)
      %dma_wait3A_228 = tpu.memref_slice %arg3[%mul3A_2] : memref<204800xi32, #tpu.memory_space<hbm>> -> memref<6400xi32, #tpu.memory_space<hbm>>
      %dma_wait3A_229 = tpu.memref_slice %arg3[%mul3A_2] : memref<204800xi32, #tpu.memory_space<hbm>> -> memref<6400xi32, #tpu.memory_space<hbm>>
      tpu.wait_dma2 semaphore(%run_scoped3A : memref<!tpu.dma_semaphore, #tpu.memory_space<semaphore_mem>>) src(%dma_wait3A_229 : memref<6400xi32, #tpu.memory_space<hbm>>) dst(%arg5 : memref<6400xi32, #tpu.memory_space<vmem>>)
      tpu.yield
    }) : () -> ()
    %dma_start3A = arith.constant 0 : i32
    %dma_start3A_3 = tpu.memref_slice %arg5[%dma_start3A] : memref<6400xi32, #tpu.memory_space<vmem>> -> memref<128xi32, #tpu.memory_space<vmem>>
    %dma_start3A_4 = arith.constant 0 : i32
    %dma_start3A_5 = arith.constant 0 : i32
    %dma_start3A_6 = tpu.memref_slice %arg2[%dma_start3A_4, %dma_start3A_5] : memref<102400x32xf32, #tpu.memory_space<hbm>> -> memref<102400x32xf32, #tpu.memory_space<hbm>>
    tpu.enqueue_indirect_dma source(%dma_start3A_6 : memref<102400x32xf32, #tpu.memory_space<hbm>>) target(%arg6 : memref<128x32xf32, #tpu.memory_space<vmem>>) offsets(%dma_start3A_3 : memref<128xi32, #tpu.memory_space<vmem>>) semaphore(%arg11 : memref<!tpu.dma_semaphore, #tpu.memory_space<semaphore_mem>>)
    %dma_start3A_7 = arith.constant 128 : i32
    %dma_start3A_8 = tpu.memref_slice %arg5[%dma_start3A_7] : memref<6400xi32, #tpu.memory_space<vmem>> -> memref<128xi32, #tpu.memory_space<vmem>>
    %dma_start3A_9 = arith.constant 0 : i32
    %dma_start3A_10 = arith.constant 0 : i32
    %dma_start3A_11 = tpu.memref_slice %arg2[%dma_start3A_9, %dma_start3A_10] : memref<102400x32xf32, #tpu.memory_space<hbm>> -> memref<102400x32xf32, #tpu.memory_space<hbm>>
    tpu.enqueue_indirect_dma source(%dma_start3A_11 : memref<102400x32xf32, #tpu.memory_space<hbm>>) target(%arg7 : memref<128x32xf32, #tpu.memory_space<vmem>>) offsets(%dma_start3A_8 : memref<128xi32, #tpu.memory_space<vmem>>) semaphore(%arg12 : memref<!tpu.dma_semaphore, #tpu.memory_space<semaphore_mem>>)
    %dma_start3A_12 = arith.constant 256 : i32
    %dma_start3A_13 = tpu.memref_slice %arg5[%dma_start3A_12] : memref<6400xi32, #tpu.memory_space<vmem>> -> memref<128xi32, #tpu.memory_space<vmem>>
    %dma_start3A_14 = arith.constant 0 : i32
    %dma_start3A_15 = arith.constant 0 : i32
    %dma_start3A_16 = tpu.memref_slice %arg2[%dma_start3A_14, %dma_start3A_15] : memref<102400x32xf32, #tpu.memory_space<hbm>> -> memref<102400x32xf32, #tpu.memory_space<hbm>>
    tpu.enqueue_indirect_dma source(%dma_start3A_16 : memref<102400x32xf32, #tpu.memory_space<hbm>>) target(%arg8 : memref<128x32xf32, #tpu.memory_space<vmem>>) offsets(%dma_start3A_13 : memref<128xi32, #tpu.memory_space<vmem>>) semaphore(%arg13 : memref<!tpu.dma_semaphore, #tpu.memory_space<semaphore_mem>>)
    %dma_start3A_17 = arith.constant 384 : i32
    %dma_start3A_18 = tpu.memref_slice %arg5[%dma_start3A_17] : memref<6400xi32, #tpu.memory_space<vmem>> -> memref<128xi32, #tpu.memory_space<vmem>>
    %dma_start3A_19 = arith.constant 0 : i32
    %dma_start3A_20 = arith.constant 0 : i32
    %dma_start3A_21 = tpu.memref_slice %arg2[%dma_start3A_19, %dma_start3A_20] : memref<102400x32xf32, #tpu.memory_space<hbm>> -> memref<102400x32xf32, #tpu.memory_space<hbm>>
    tpu.enqueue_indirect_dma source(%dma_start3A_21 : memref<102400x32xf32, #tpu.memory_space<hbm>>) target(%arg9 : memref<128x32xf32, #tpu.memory_space<vmem>>) offsets(%dma_start3A_18 : memref<128xi32, #tpu.memory_space<vmem>>) semaphore(%arg14 : memref<!tpu.dma_semaphore, #tpu.memory_space<semaphore_mem>>)
    %dma_wait3A = arith.constant 0 : i32
    %dma_wait3A_22 = tpu.memref_slice %arg5[%dma_wait3A] : memref<6400xi32, #tpu.memory_space<vmem>> -> memref<128xi32, #tpu.memory_space<vmem>>
    %dma_wait3A_23 = arith.constant 0 : i32
    %dma_wait3A_24 = arith.constant 0 : i32
    %dma_wait3A_25 = tpu.memref_slice %arg2[%dma_wait3A_23, %dma_wait3A_24] : memref<102400x32xf32, #tpu.memory_space<hbm>> -> memref<102400x32xf32, #tpu.memory_space<hbm>>
    tpu.wait_indirect_dma semaphore(%arg11 : memref<!tpu.dma_semaphore, #tpu.memory_space<semaphore_mem>>) src(%dma_wait3A_25 : memref<102400x32xf32, #tpu.memory_space<hbm>>) dst(%arg6 : memref<128x32xf32, #tpu.memory_space<vmem>>)
    %add3A_26 = arith.constant 0 : i32
    %add3A_27 = arith.addi %mul3A_2, %add3A_26 : i32
    %dma_start3A_28 = arith.constant 0 : i32
    %dma_start3A_29 = tpu.memref_slice %arg4[%add3A_27, %dma_start3A_28] : memref<204800x32xf32, #tpu.memory_space<hbm>> -> memref<128x32xf32, #tpu.memory_space<hbm>>
    %dma_start3A_30 = arith.constant 0 : i32
    %dma_start3A_31 = tpu.memref_slice %arg4[%add3A_27, %dma_start3A_30] : memref<204800x32xf32, #tpu.memory_space<hbm>> -> memref<128x32xf32, #tpu.memory_space<hbm>>
    tpu.enqueue_dma source(%arg6 : memref<128x32xf32, #tpu.memory_space<vmem>>) target(%dma_start3A_31 : memref<128x32xf32, #tpu.memory_space<hbm>>) target_semaphore(%arg16 : memref<!tpu.dma_semaphore, #tpu.memory_space<semaphore_mem>>)
    %dma_start3A_32 = arith.constant 512 : i32
    %dma_start3A_33 = tpu.memref_slice %arg5[%dma_start3A_32] : memref<6400xi32, #tpu.memory_space<vmem>> -> memref<128xi32, #tpu.memory_space<vmem>>
    %dma_start3A_34 = arith.constant 0 : i32
    %dma_start3A_35 = arith.constant 0 : i32
    %dma_start3A_36 = tpu.memref_slice %arg2[%dma_start3A_34, %dma_start3A_35] : memref<102400x32xf32, #tpu.memory_space<hbm>> -> memref<102400x32xf32, #tpu.memory_space<hbm>>
    tpu.enqueue_indirect_dma source(%dma_start3A_36 : memref<102400x32xf32, #tpu.memory_space<hbm>>) target(%arg10 : memref<128x32xf32, #tpu.memory_space<vmem>>) offsets(%dma_start3A_33 : memref<128xi32, #tpu.memory_space<vmem>>) semaphore(%arg15 : memref<!tpu.dma_semaphore, #tpu.memory_space<semaphore_mem>>)
    %dma_wait3A_37 = arith.constant 128 : i32
    %dma_wait3A_38 = tpu.memref_slice %arg5[%dma_wait3A_37] : memref<6400xi32, #tpu.memory_space<vmem>> -> memref<128xi32, #tpu.memory_space<vmem>>
    %dma_wait3A_39 = arith.constant 0 : i32
    %dma_wait3A_40 = arith.constant 0 : i32
    %dma_wait3A_41 = tpu.memref_slice %arg2[%dma_wait3A_39, %dma_wait3A_40] : memref<102400x32xf32, #tpu.memory_space<hbm>> -> memref<102400x32xf32, #tpu.memory_space<hbm>>
    tpu.wait_indirect_dma semaphore(%arg12 : memref<!tpu.dma_semaphore, #tpu.memory_space<semaphore_mem>>) src(%dma_wait3A_41 : memref<102400x32xf32, #tpu.memory_space<hbm>>) dst(%arg7 : memref<128x32xf32, #tpu.memory_space<vmem>>)
    %add3A_42 = arith.constant 128 : i32
    %add3A_43 = arith.addi %mul3A_2, %add3A_42 : i32
    %dma_start3A_44 = arith.constant 0 : i32
    %dma_start3A_45 = tpu.memref_slice %arg4[%add3A_43, %dma_start3A_44] : memref<204800x32xf32, #tpu.memory_space<hbm>> -> memref<128x32xf32, #tpu.memory_space<hbm>>
    %dma_start3A_46 = arith.constant 0 : i32
    %dma_start3A_47 = tpu.memref_slice %arg4[%add3A_43, %dma_start3A_46] : memref<204800x32xf32, #tpu.memory_space<hbm>> -> memref<128x32xf32, #tpu.memory_space<hbm>>
    tpu.enqueue_dma source(%arg7 : memref<128x32xf32, #tpu.memory_space<vmem>>) target(%dma_start3A_47 : memref<128x32xf32, #tpu.memory_space<hbm>>) target_semaphore(%arg17 : memref<!tpu.dma_semaphore, #tpu.memory_space<semaphore_mem>>)
    %add3A_48 = arith.constant 0 : i32
    %add3A_49 = arith.addi %mul3A_2, %add3A_48 : i32
    %dma_wait3A_50 = arith.constant 0 : i32
    %dma_wait3A_51 = tpu.memref_slice %arg4[%add3A_49, %dma_wait3A_50] : memref<204800x32xf32, #tpu.memory_space<hbm>> -> memref<128x32xf32, #tpu.memory_space<hbm>>
    %dma_wait3A_52 = arith.constant 0 : i32
    %dma_wait3A_53 = tpu.memref_slice %arg4[%add3A_49, %dma_wait3A_52] : memref<204800x32xf32, #tpu.memory_space<hbm>> -> memref<128x32xf32, #tpu.memory_space<hbm>>
    tpu.wait_dma2 semaphore(%arg16 : memref<!tpu.dma_semaphore, #tpu.memory_space<semaphore_mem>>) src(%arg6 : memref<128x32xf32, #tpu.memory_space<vmem>>) dst(%dma_wait3A_53 : memref<128x32xf32, #tpu.memory_space<hbm>>)
    %dma_start3A_54 = arith.constant 640 : i32
    %dma_start3A_55 = tpu.memref_slice %arg5[%dma_start3A_54] : memref<6400xi32, #tpu.memory_space<vmem>> -> memref<128xi32, #tpu.memory_space<vmem>>
    %dma_start3A_56 = arith.constant 0 : i32
    %dma_start3A_57 = arith.constant 0 : i32
    %dma_start3A_58 = tpu.memref_slice %arg2[%dma_start3A_56, %dma_start3A_57] : memref<102400x32xf32, #tpu.memory_space<hbm>> -> memref<102400x32xf32, #tpu.memory_space<hbm>>
    tpu.enqueue_indirect_dma source(%dma_start3A_58 : memref<102400x32xf32, #tpu.memory_space<hbm>>) target(%arg6 : memref<128x32xf32, #tpu.memory_space<vmem>>) offsets(%dma_start3A_55 : memref<128xi32, #tpu.memory_space<vmem>>) semaphore(%arg11 : memref<!tpu.dma_semaphore, #tpu.memory_space<semaphore_mem>>)
    %dma_wait3A_59 = arith.constant 256 : i32
    %dma_wait3A_60 = tpu.memref_slice %arg5[%dma_wait3A_59] : memref<6400xi32, #tpu.memory_space<vmem>> -> memref<128xi32, #tpu.memory_space<vmem>>
    %dma_wait3A_61 = arith.constant 0 : i32
    %dma_wait3A_62 = arith.constant 0 : i32
    %dma_wait3A_63 = tpu.memref_slice %arg2[%dma_wait3A_61, %dma_wait3A_62] : memref<102400x32xf32, #tpu.memory_space<hbm>> -> memref<102400x32xf32, #tpu.memory_space<hbm>>
    tpu.wait_indirect_dma semaphore(%arg13 : memref<!tpu.dma_semaphore, #tpu.memory_space<semaphore_mem>>) src(%dma_wait3A_63 : memref<102400x32xf32, #tpu.memory_space<hbm>>) dst(%arg8 : memref<128x32xf32, #tpu.memory_space<vmem>>)
    %add3A_64 = arith.constant 256 : i32
    %add3A_65 = arith.addi %mul3A_2, %add3A_64 : i32
    %dma_start3A_66 = arith.constant 0 : i32
    %dma_start3A_67 = tpu.memref_slice %arg4[%add3A_65, %dma_start3A_66] : memref<204800x32xf32, #tpu.memory_space<hbm>> -> memref<128x32xf32, #tpu.memory_space<hbm>>
    %dma_start3A_68 = arith.constant 0 : i32
    %dma_start3A_69 = tpu.memref_slice %arg4[%add3A_65, %dma_start3A_68] : memref<204800x32xf32, #tpu.memory_space<hbm>> -> memref<128x32xf32, #tpu.memory_space<hbm>>
    tpu.enqueue_dma source(%arg8 : memref<128x32xf32, #tpu.memory_space<vmem>>) target(%dma_start3A_69 : memref<128x32xf32, #tpu.memory_space<hbm>>) target_semaphore(%arg18 : memref<!tpu.dma_semaphore, #tpu.memory_space<semaphore_mem>>)
    %add3A_70 = arith.constant 128 : i32
    %add3A_71 = arith.addi %mul3A_2, %add3A_70 : i32
    %dma_wait3A_72 = arith.constant 0 : i32
    %dma_wait3A_73 = tpu.memref_slice %arg4[%add3A_71, %dma_wait3A_72] : memref<204800x32xf32, #tpu.memory_space<hbm>> -> memref<128x32xf32, #tpu.memory_space<hbm>>
    %dma_wait3A_74 = arith.constant 0 : i32
    %dma_wait3A_75 = tpu.memref_slice %arg4[%add3A_71, %dma_wait3A_74] : memref<204800x32xf32, #tpu.memory_space<hbm>> -> memref<128x32xf32, #tpu.memory_space<hbm>>
    tpu.wait_dma2 semaphore(%arg17 : memref<!tpu.dma_semaphore, #tpu.memory_space<semaphore_mem>>) src(%arg7 : memref<128x32xf32, #tpu.memory_space<vmem>>) dst(%dma_wait3A_75 : memref<128x32xf32, #tpu.memory_space<hbm>>)
    %dma_start3A_76 = arith.constant 768 : i32
    %dma_start3A_77 = tpu.memref_slice %arg5[%dma_start3A_76] : memref<6400xi32, #tpu.memory_space<vmem>> -> memref<128xi32, #tpu.memory_space<vmem>>
    %dma_start3A_78 = arith.constant 0 : i32
    %dma_start3A_79 = arith.constant 0 : i32
    %dma_start3A_80 = tpu.memref_slice %arg2[%dma_start3A_78, %dma_start3A_79] : memref<102400x32xf32, #tpu.memory_space<hbm>> -> memref<102400x32xf32, #tpu.memory_space<hbm>>
    tpu.enqueue_indirect_dma source(%dma_start3A_80 : memref<102400x32xf32, #tpu.memory_space<hbm>>) target(%arg7 : memref<128x32xf32, #tpu.memory_space<vmem>>) offsets(%dma_start3A_77 : memref<128xi32, #tpu.memory_space<vmem>>) semaphore(%arg12 : memref<!tpu.dma_semaphore, #tpu.memory_space<semaphore_mem>>)
    %dma_wait3A_81 = arith.constant 384 : i32
    %dma_wait3A_82 = tpu.memref_slice %arg5[%dma_wait3A_81] : memref<6400xi32, #tpu.memory_space<vmem>> -> memref<128xi32, #tpu.memory_space<vmem>>
    %dma_wait3A_83 = arith.constant 0 : i32
    %dma_wait3A_84 = arith.constant 0 : i32
    %dma_wait3A_85 = tpu.memref_slice %arg2[%dma_wait3A_83, %dma_wait3A_84] : memref<102400x32xf32, #tpu.memory_space<hbm>> -> memref<102400x32xf32, #tpu.memory_space<hbm>>
    tpu.wait_indirect_dma semaphore(%arg14 : memref<!tpu.dma_semaphore, #tpu.memory_space<semaphore_mem>>) src(%dma_wait3A_85 : memref<102400x32xf32, #tpu.memory_space<hbm>>) dst(%arg9 : memref<128x32xf32, #tpu.memory_space<vmem>>)
    %add3A_86 = arith.constant 384 : i32
    %add3A_87 = arith.addi %mul3A_2, %add3A_86 : i32
    %dma_start3A_88 = arith.constant 0 : i32
    %dma_start3A_89 = tpu.memref_slice %arg4[%add3A_87, %dma_start3A_88] : memref<204800x32xf32, #tpu.memory_space<hbm>> -> memref<128x32xf32, #tpu.memory_space<hbm>>
    %dma_start3A_90 = arith.constant 0 : i32
    %dma_start3A_91 = tpu.memref_slice %arg4[%add3A_87, %dma_start3A_90] : memref<204800x32xf32, #tpu.memory_space<hbm>> -> memref<128x32xf32, #tpu.memory_space<hbm>>
    tpu.enqueue_dma source(%arg9 : memref<128x32xf32, #tpu.memory_space<vmem>>) target(%dma_start3A_91 : memref<128x32xf32, #tpu.memory_space<hbm>>) target_semaphore(%arg19 : memref<!tpu.dma_semaphore, #tpu.memory_space<semaphore_mem>>)
    %add3A_92 = arith.constant 256 : i32
    %add3A_93 = arith.addi %mul3A_2, %add3A_92 : i32
    %dma_wait3A_94 = arith.constant 0 : i32
    %dma_wait3A_95 = tpu.memref_slice %arg4[%add3A_93, %dma_wait3A_94] : memref<204800x32xf32, #tpu.memory_space<hbm>> -> memref<128x32xf32, #tpu.memory_space<hbm>>
    %dma_wait3A_96 = arith.constant 0 : i32
    %dma_wait3A_97 = tpu.memref_slice %arg4[%add3A_93, %dma_wait3A_96] : memref<204800x32xf32, #tpu.memory_space<hbm>> -> memref<128x32xf32, #tpu.memory_space<hbm>>
    tpu.wait_dma2 semaphore(%arg18 : memref<!tpu.dma_semaphore, #tpu.memory_space<semaphore_mem>>) src(%arg8 : memref<128x32xf32, #tpu.memory_space<vmem>>) dst(%dma_wait3A_97 : memref<128x32xf32, #tpu.memory_space<hbm>>)
    %dma_start3A_98 = arith.constant 896 : i32
    %dma_start3A_99 = tpu.memref_slice %arg5[%dma_start3A_98] : memref<6400xi32, #tpu.memory_space<vmem>> -> memref<128xi32, #tpu.memory_space<vmem>>
    %dma_start3A_100 = arith.constant 0 : i32
    %dma_start3A_101 = arith.constant 0 : i32
    %dma_start3A_102 = tpu.memref_slice %arg2[%dma_start3A_100, %dma_start3A_101] : memref<102400x32xf32, #tpu.memory_space<hbm>> -> memref<102400x32xf32, #tpu.memory_space<hbm>>
    tpu.enqueue_indirect_dma source(%dma_start3A_102 : memref<102400x32xf32, #tpu.memory_space<hbm>>) target(%arg8 : memref<128x32xf32, #tpu.memory_space<vmem>>) offsets(%dma_start3A_99 : memref<128xi32, #tpu.memory_space<vmem>>) semaphore(%arg13 : memref<!tpu.dma_semaphore, #tpu.memory_space<semaphore_mem>>)
    %dma_wait3A_103 = arith.constant 512 : i32
    %dma_wait3A_104 = tpu.memref_slice %arg5[%dma_wait3A_103] : memref<6400xi32, #tpu.memory_space<vmem>> -> memref<128xi32, #tpu.memory_space<vmem>>
    %dma_wait3A_105 = arith.constant 0 : i32
    %dma_wait3A_106 = arith.constant 0 : i32
    %dma_wait3A_107 = tpu.memref_slice %arg2[%dma_wait3A_105, %dma_wait3A_106] : memref<102400x32xf32, #tpu.memory_space<hbm>> -> memref<102400x32xf32, #tpu.memory_space<hbm>>
    tpu.wait_indirect_dma semaphore(%arg15 : memref<!tpu.dma_semaphore, #tpu.memory_space<semaphore_mem>>) src(%dma_wait3A_107 : memref<102400x32xf32, #tpu.memory_space<hbm>>) dst(%arg10 : memref<128x32xf32, #tpu.memory_space<vmem>>)
    %add3A_108 = arith.constant 512 : i32
    %add3A_109 = arith.addi %mul3A_2, %add3A_108 : i32
    %dma_start3A_110 = arith.constant 0 : i32
    %dma_start3A_111 = tpu.memref_slice %arg4[%add3A_109, %dma_start3A_110] : memref<204800x32xf32, #tpu.memory_space<hbm>> -> memref<128x32xf32, #tpu.memory_space<hbm>>
    %dma_start3A_112 = arith.constant 0 : i32
    %dma_start3A_113 = tpu.memref_slice %arg4[%add3A_109, %dma_start3A_112] : memref<204800x32xf32, #tpu.memory_space<hbm>> -> memref<128x32xf32, #tpu.memory_space<hbm>>
    tpu.enqueue_dma source(%arg10 : memref<128x32xf32, #tpu.memory_space<vmem>>) target(%dma_start3A_113 : memref<128x32xf32, #tpu.memory_space<hbm>>) target_semaphore(%arg20 : memref<!tpu.dma_semaphore, #tpu.memory_space<semaphore_mem>>)
    %add3A_114 = arith.constant 384 : i32
    %add3A_115 = arith.addi %mul3A_2, %add3A_114 : i32
    %dma_wait3A_116 = arith.constant 0 : i32
    %dma_wait3A_117 = tpu.memref_slice %arg4[%add3A_115, %dma_wait3A_116] : memref<204800x32xf32, #tpu.memory_space<hbm>> -> memref<128x32xf32, #tpu.memory_space<hbm>>
    %dma_wait3A_118 = arith.constant 0 : i32
    %dma_wait3A_119 = tpu.memref_slice %arg4[%add3A_115, %dma_wait3A_118] : memref<204800x32xf32, #tpu.memory_space<hbm>> -> memref<128x32xf32, #tpu.memory_space<hbm>>
    tpu.wait_dma2 semaphore(%arg19 : memref<!tpu.dma_semaphore, #tpu.memory_space<semaphore_mem>>) src(%arg9 : memref<128x32xf32, #tpu.memory_space<vmem>>) dst(%dma_wait3A_119 : memref<128x32xf32, #tpu.memory_space<hbm>>)
    %dma_start3A_120 = arith.constant 1024 : i32
    %dma_start3A_121 = tpu.memref_slice %arg5[%dma_start3A_120] : memref<6400xi32, #tpu.memory_space<vmem>> -> memref<128xi32, #tpu.memory_space<vmem>>
    %dma_start3A_122 = arith.constant 0 : i32
    %dma_start3A_123 = arith.constant 0 : i32
    %dma_start3A_124 = tpu.memref_slice %arg2[%dma_start3A_122, %dma_start3A_123] : memref<102400x32xf32, #tpu.memory_space<hbm>> -> memref<102400x32xf32, #tpu.memory_space<hbm>>
    tpu.enqueue_indirect_dma source(%dma_start3A_124 : memref<102400x32xf32, #tpu.memory_space<hbm>>) target(%arg9 : memref<128x32xf32, #tpu.memory_space<vmem>>) offsets(%dma_start3A_121 : memref<128xi32, #tpu.memory_space<vmem>>) semaphore(%arg14 : memref<!tpu.dma_semaphore, #tpu.memory_space<semaphore_mem>>)
    %scan3A = arith.constant 0 : i32
    %scan3A_125 = arith.constant 1 : i32
    %scan3A_126 = arith.constant 8 : i32
    %scan3A_127 = arith.addi %scan3A_125, %scan3A_126 : i32
    %scan3A_128 = arith.constant 1 : i32
    scf.for %scan3A_226 = %scan3A_125 to %scan3A_127 step %scan3A_128  : i32 {
      %mul3A_227 = arith.constant 5 : i32
      %mul3A_228 = arith.muli %scan3A_226, %mul3A_227 : i32
      %add3A_229 = arith.constant 0 : i32
      %add3A_230 = arith.addi %mul3A_228, %add3A_229 : i32
      %mul3A_231 = arith.constant 128 : i32
      %mul3A_232 = arith.muli %add3A_230, %mul3A_231 : i32
      %dma_wait3A_233 = tpu.memref_slice %arg5[%mul3A_232] : memref<6400xi32, #tpu.memory_space<vmem>> -> memref<128xi32, #tpu.memory_space<vmem>>
      %dma_wait3A_234 = arith.constant 0 : i32
      %dma_wait3A_235 = arith.constant 0 : i32
      %dma_wait3A_236 = tpu.memref_slice %arg2[%dma_wait3A_234, %dma_wait3A_235] : memref<102400x32xf32, #tpu.memory_space<hbm>> -> memref<102400x32xf32, #tpu.memory_space<hbm>>
      tpu.wait_indirect_dma semaphore(%arg11 : memref<!tpu.dma_semaphore, #tpu.memory_space<semaphore_mem>>) src(%dma_wait3A_236 : memref<102400x32xf32, #tpu.memory_space<hbm>>) dst(%arg6 : memref<128x32xf32, #tpu.memory_space<vmem>>)
      %mul3A_237 = arith.constant 128 : i32
      %mul3A_238 = arith.muli %add3A_230, %mul3A_237 : i32
      %add3A_239 = arith.addi %mul3A_2, %mul3A_238 : i32
      %dma_start3A_240 = arith.constant 0 : i32
      %dma_start3A_241 = tpu.memref_slice %arg4[%add3A_239, %dma_start3A_240] : memref<204800x32xf32, #tpu.memory_space<hbm>> -> memref<128x32xf32, #tpu.memory_space<hbm>>
      %dma_start3A_242 = arith.constant 0 : i32
      %dma_start3A_243 = tpu.memref_slice %arg4[%add3A_239, %dma_start3A_242] : memref<204800x32xf32, #tpu.memory_space<hbm>> -> memref<128x32xf32, #tpu.memory_space<hbm>>
      tpu.enqueue_dma source(%arg6 : memref<128x32xf32, #tpu.memory_space<vmem>>) target(%dma_start3A_243 : memref<128x32xf32, #tpu.memory_space<hbm>>) target_semaphore(%arg16 : memref<!tpu.dma_semaphore, #tpu.memory_space<semaphore_mem>>)
      %sub3A = arith.constant 1 : i32
      %sub3A_244 = arith.subi %add3A_230, %sub3A : i32
      %mul3A_245 = arith.constant 128 : i32
      %mul3A_246 = arith.muli %sub3A_244, %mul3A_245 : i32
      %add3A_247 = arith.addi %mul3A_2, %mul3A_246 : i32
      %dma_wait3A_248 = arith.constant 0 : i32
      %dma_wait3A_249 = tpu.memref_slice %arg4[%add3A_247, %dma_wait3A_248] : memref<204800x32xf32, #tpu.memory_space<hbm>> -> memref<128x32xf32, #tpu.memory_space<hbm>>
      %dma_wait3A_250 = arith.constant 0 : i32
      %dma_wait3A_251 = tpu.memref_slice %arg4[%add3A_247, %dma_wait3A_250] : memref<204800x32xf32, #tpu.memory_space<hbm>> -> memref<128x32xf32, #tpu.memory_space<hbm>>
      tpu.wait_dma2 semaphore(%arg20 : memref<!tpu.dma_semaphore, #tpu.memory_space<semaphore_mem>>) src(%arg10 : memref<128x32xf32, #tpu.memory_space<vmem>>) dst(%dma_wait3A_251 : memref<128x32xf32, #tpu.memory_space<hbm>>)
      %add3A_252 = arith.constant 5 : i32
      %add3A_253 = arith.addi %add3A_230, %add3A_252 : i32
      %sub3A_254 = arith.constant 1 : i32
      %sub3A_255 = arith.subi %add3A_253, %sub3A_254 : i32
      %mul3A_256 = arith.constant 128 : i32
      %mul3A_257 = arith.muli %sub3A_255, %mul3A_256 : i32
      %dma_start3A_258 = tpu.memref_slice %arg5[%mul3A_257] : memref<6400xi32, #tpu.memory_space<vmem>> -> memref<128xi32, #tpu.memory_space<vmem>>
      %dma_start3A_259 = arith.constant 0 : i32
      %dma_start3A_260 = arith.constant 0 : i32
      %dma_start3A_261 = tpu.memref_slice %arg2[%dma_start3A_259, %dma_start3A_260] : memref<102400x32xf32, #tpu.memory_space<hbm>> -> memref<102400x32xf32, #tpu.memory_space<hbm>>
      tpu.enqueue_indirect_dma source(%dma_start3A_261 : memref<102400x32xf32, #tpu.memory_space<hbm>>) target(%arg10 : memref<128x32xf32, #tpu.memory_space<vmem>>) offsets(%dma_start3A_258 : memref<128xi32, #tpu.memory_space<vmem>>) semaphore(%arg15 : memref<!tpu.dma_semaphore, #tpu.memory_space<semaphore_mem>>)
      %add3A_262 = arith.constant 1 : i32
      %add3A_263 = arith.addi %mul3A_228, %add3A_262 : i32
      %mul3A_264 = arith.constant 128 : i32
      %mul3A_265 = arith.muli %add3A_263, %mul3A_264 : i32
      %dma_wait3A_266 = tpu.memref_slice %arg5[%mul3A_265] : memref<6400xi32, #tpu.memory_space<vmem>> -> memref<128xi32, #tpu.memory_space<vmem>>
      %dma_wait3A_267 = arith.constant 0 : i32
      %dma_wait3A_268 = arith.constant 0 : i32
      %dma_wait3A_269 = tpu.memref_slice %arg2[%dma_wait3A_267, %dma_wait3A_268] : memref<102400x32xf32, #tpu.memory_space<hbm>> -> memref<102400x32xf32, #tpu.memory_space<hbm>>
      tpu.wait_indirect_dma semaphore(%arg12 : memref<!tpu.dma_semaphore, #tpu.memory_space<semaphore_mem>>) src(%dma_wait3A_269 : memref<102400x32xf32, #tpu.memory_space<hbm>>) dst(%arg7 : memref<128x32xf32, #tpu.memory_space<vmem>>)
      %mul3A_270 = arith.constant 128 : i32
      %mul3A_271 = arith.muli %add3A_263, %mul3A_270 : i32
      %add3A_272 = arith.addi %mul3A_2, %mul3A_271 : i32
      %dma_start3A_273 = arith.constant 0 : i32
      %dma_start3A_274 = tpu.memref_slice %arg4[%add3A_272, %dma_start3A_273] : memref<204800x32xf32, #tpu.memory_space<hbm>> -> memref<128x32xf32, #tpu.memory_space<hbm>>
      %dma_start3A_275 = arith.constant 0 : i32
      %dma_start3A_276 = tpu.memref_slice %arg4[%add3A_272, %dma_start3A_275] : memref<204800x32xf32, #tpu.memory_space<hbm>> -> memref<128x32xf32, #tpu.memory_space<hbm>>
      tpu.enqueue_dma source(%arg7 : memref<128x32xf32, #tpu.memory_space<vmem>>) target(%dma_start3A_276 : memref<128x32xf32, #tpu.memory_space<hbm>>) target_semaphore(%arg17 : memref<!tpu.dma_semaphore, #tpu.memory_space<semaphore_mem>>)
      %sub3A_277 = arith.constant 1 : i32
      %sub3A_278 = arith.subi %add3A_263, %sub3A_277 : i32
      %mul3A_279 = arith.constant 128 : i32
      %mul3A_280 = arith.muli %sub3A_278, %mul3A_279 : i32
      %add3A_281 = arith.addi %mul3A_2, %mul3A_280 : i32
      %dma_wait3A_282 = arith.constant 0 : i32
      %dma_wait3A_283 = tpu.memref_slice %arg4[%add3A_281, %dma_wait3A_282] : memref<204800x32xf32, #tpu.memory_space<hbm>> -> memref<128x32xf32, #tpu.memory_space<hbm>>
      %dma_wait3A_284 = arith.constant 0 : i32
      %dma_wait3A_285 = tpu.memref_slice %arg4[%add3A_281, %dma_wait3A_284] : memref<204800x32xf32, #tpu.memory_space<hbm>> -> memref<128x32xf32, #tpu.memory_space<hbm>>
      tpu.wait_dma2 semaphore(%arg16 : memref<!tpu.dma_semaphore, #tpu.memory_space<semaphore_mem>>) src(%arg6 : memref<128x32xf32, #tpu.memory_space<vmem>>) dst(%dma_wait3A_285 : memref<128x32xf32, #tpu.memory_space<hbm>>)
      %add3A_286 = arith.constant 5 : i32
      %add3A_287 = arith.addi %add3A_263, %add3A_286 : i32
      %sub3A_288 = arith.constant 1 : i32
      %sub3A_289 = arith.subi %add3A_287, %sub3A_288 : i32
      %mul3A_290 = arith.constant 128 : i32
      %mul3A_291 = arith.muli %sub3A_289, %mul3A_290 : i32
      %dma_start3A_292 = tpu.memref_slice %arg5[%mul3A_291] : memref<6400xi32, #tpu.memory_space<vmem>> -> memref<128xi32, #tpu.memory_space<vmem>>
      %dma_start3A_293 = arith.constant 0 : i32
      %dma_start3A_294 = arith.constant 0 : i32
      %dma_start3A_295 = tpu.memref_slice %arg2[%dma_start3A_293, %dma_start3A_294] : memref<102400x32xf32, #tpu.memory_space<hbm>> -> memref<102400x32xf32, #tpu.memory_space<hbm>>
      tpu.enqueue_indirect_dma source(%dma_start3A_295 : memref<102400x32xf32, #tpu.memory_space<hbm>>) target(%arg6 : memref<128x32xf32, #tpu.memory_space<vmem>>) offsets(%dma_start3A_292 : memref<128xi32, #tpu.memory_space<vmem>>) semaphore(%arg11 : memref<!tpu.dma_semaphore, #tpu.memory_space<semaphore_mem>>)
      %add3A_296 = arith.constant 2 : i32
      %add3A_297 = arith.addi %mul3A_228, %add3A_296 : i32
      %mul3A_298 = arith.constant 128 : i32
      %mul3A_299 = arith.muli %add3A_297, %mul3A_298 : i32
      %dma_wait3A_300 = tpu.memref_slice %arg5[%mul3A_299] : memref<6400xi32, #tpu.memory_space<vmem>> -> memref<128xi32, #tpu.memory_space<vmem>>
      %dma_wait3A_301 = arith.constant 0 : i32
      %dma_wait3A_302 = arith.constant 0 : i32
      %dma_wait3A_303 = tpu.memref_slice %arg2[%dma_wait3A_301, %dma_wait3A_302] : memref<102400x32xf32, #tpu.memory_space<hbm>> -> memref<102400x32xf32, #tpu.memory_space<hbm>>
      tpu.wait_indirect_dma semaphore(%arg13 : memref<!tpu.dma_semaphore, #tpu.memory_space<semaphore_mem>>) src(%dma_wait3A_303 : memref<102400x32xf32, #tpu.memory_space<hbm>>) dst(%arg8 : memref<128x32xf32, #tpu.memory_space<vmem>>)
      %mul3A_304 = arith.constant 128 : i32
      %mul3A_305 = arith.muli %add3A_297, %mul3A_304 : i32
      %add3A_306 = arith.addi %mul3A_2, %mul3A_305 : i32
      %dma_start3A_307 = arith.constant 0 : i32
      %dma_start3A_308 = tpu.memref_slice %arg4[%add3A_306, %dma_start3A_307] : memref<204800x32xf32, #tpu.memory_space<hbm>> -> memref<128x32xf32, #tpu.memory_space<hbm>>
      %dma_start3A_309 = arith.constant 0 : i32
      %dma_start3A_310 = tpu.memref_slice %arg4[%add3A_306, %dma_start3A_309] : memref<204800x32xf32, #tpu.memory_space<hbm>> -> memref<128x32xf32, #tpu.memory_space<hbm>>
      tpu.enqueue_dma source(%arg8 : memref<128x32xf32, #tpu.memory_space<vmem>>) target(%dma_start3A_310 : memref<128x32xf32, #tpu.memory_space<hbm>>) target_semaphore(%arg18 : memref<!tpu.dma_semaphore, #tpu.memory_space<semaphore_mem>>)
      %sub3A_311 = arith.constant 1 : i32
      %sub3A_312 = arith.subi %add3A_297, %sub3A_311 : i32
      %mul3A_313 = arith.constant 128 : i32
      %mul3A_314 = arith.muli %sub3A_312, %mul3A_313 : i32
      %add3A_315 = arith.addi %mul3A_2, %mul3A_314 : i32
      %dma_wait3A_316 = arith.constant 0 : i32
      %dma_wait3A_317 = tpu.memref_slice %arg4[%add3A_315, %dma_wait3A_316] : memref<204800x32xf32, #tpu.memory_space<hbm>> -> memref<128x32xf32, #tpu.memory_space<hbm>>
      %dma_wait3A_318 = arith.constant 0 : i32
      %dma_wait3A_319 = tpu.memref_slice %arg4[%add3A_315, %dma_wait3A_318] : memref<204800x32xf32, #tpu.memory_space<hbm>> -> memref<128x32xf32, #tpu.memory_space<hbm>>
      tpu.wait_dma2 semaphore(%arg17 : memref<!tpu.dma_semaphore, #tpu.memory_space<semaphore_mem>>) src(%arg7 : memref<128x32xf32, #tpu.memory_space<vmem>>) dst(%dma_wait3A_319 : memref<128x32xf32, #tpu.memory_space<hbm>>)
      %add3A_320 = arith.constant 5 : i32
      %add3A_321 = arith.addi %add3A_297, %add3A_320 : i32
      %sub3A_322 = arith.constant 1 : i32
      %sub3A_323 = arith.subi %add3A_321, %sub3A_322 : i32
      %mul3A_324 = arith.constant 128 : i32
      %mul3A_325 = arith.muli %sub3A_323, %mul3A_324 : i32
      %dma_start3A_326 = tpu.memref_slice %arg5[%mul3A_325] : memref<6400xi32, #tpu.memory_space<vmem>> -> memref<128xi32, #tpu.memory_space<vmem>>
      %dma_start3A_327 = arith.constant 0 : i32
      %dma_start3A_328 = arith.constant 0 : i32
      %dma_start3A_329 = tpu.memref_slice %arg2[%dma_start3A_327, %dma_start3A_328] : memref<102400x32xf32, #tpu.memory_space<hbm>> -> memref<102400x32xf32, #tpu.memory_space<hbm>>
      tpu.enqueue_indirect_dma source(%dma_start3A_329 : memref<102400x32xf32, #tpu.memory_space<hbm>>) target(%arg7 : memref<128x32xf32, #tpu.memory_space<vmem>>) offsets(%dma_start3A_326 : memref<128xi32, #tpu.memory_space<vmem>>) semaphore(%arg12 : memref<!tpu.dma_semaphore, #tpu.memory_space<semaphore_mem>>)
      %add3A_330 = arith.constant 3 : i32
      %add3A_331 = arith.addi %mul3A_228, %add3A_330 : i32
      %mul3A_332 = arith.constant 128 : i32
      %mul3A_333 = arith.muli %add3A_331, %mul3A_332 : i32
      %dma_wait3A_334 = tpu.memref_slice %arg5[%mul3A_333] : memref<6400xi32, #tpu.memory_space<vmem>> -> memref<128xi32, #tpu.memory_space<vmem>>
      %dma_wait3A_335 = arith.constant 0 : i32
      %dma_wait3A_336 = arith.constant 0 : i32
      %dma_wait3A_337 = tpu.memref_slice %arg2[%dma_wait3A_335, %dma_wait3A_336] : memref<102400x32xf32, #tpu.memory_space<hbm>> -> memref<102400x32xf32, #tpu.memory_space<hbm>>
      tpu.wait_indirect_dma semaphore(%arg14 : memref<!tpu.dma_semaphore, #tpu.memory_space<semaphore_mem>>) src(%dma_wait3A_337 : memref<102400x32xf32, #tpu.memory_space<hbm>>) dst(%arg9 : memref<128x32xf32, #tpu.memory_space<vmem>>)
      %mul3A_338 = arith.constant 128 : i32
      %mul3A_339 = arith.muli %add3A_331, %mul3A_338 : i32
      %add3A_340 = arith.addi %mul3A_2, %mul3A_339 : i32
      %dma_start3A_341 = arith.constant 0 : i32
      %dma_start3A_342 = tpu.memref_slice %arg4[%add3A_340, %dma_start3A_341] : memref<204800x32xf32, #tpu.memory_space<hbm>> -> memref<128x32xf32, #tpu.memory_space<hbm>>
      %dma_start3A_343 = arith.constant 0 : i32
      %dma_start3A_344 = tpu.memref_slice %arg4[%add3A_340, %dma_start3A_343] : memref<204800x32xf32, #tpu.memory_space<hbm>> -> memref<128x32xf32, #tpu.memory_space<hbm>>
      tpu.enqueue_dma source(%arg9 : memref<128x32xf32, #tpu.memory_space<vmem>>) target(%dma_start3A_344 : memref<128x32xf32, #tpu.memory_space<hbm>>) target_semaphore(%arg19 : memref<!tpu.dma_semaphore, #tpu.memory_space<semaphore_mem>>)
      %sub3A_345 = arith.constant 1 : i32
      %sub3A_346 = arith.subi %add3A_331, %sub3A_345 : i32
      %mul3A_347 = arith.constant 128 : i32
      %mul3A_348 = arith.muli %sub3A_346, %mul3A_347 : i32
      %add3A_349 = arith.addi %mul3A_2, %mul3A_348 : i32
      %dma_wait3A_350 = arith.constant 0 : i32
      %dma_wait3A_351 = tpu.memref_slice %arg4[%add3A_349, %dma_wait3A_350] : memref<204800x32xf32, #tpu.memory_space<hbm>> -> memref<128x32xf32, #tpu.memory_space<hbm>>
      %dma_wait3A_352 = arith.constant 0 : i32
      %dma_wait3A_353 = tpu.memref_slice %arg4[%add3A_349, %dma_wait3A_352] : memref<204800x32xf32, #tpu.memory_space<hbm>> -> memref<128x32xf32, #tpu.memory_space<hbm>>
      tpu.wait_dma2 semaphore(%arg18 : memref<!tpu.dma_semaphore, #tpu.memory_space<semaphore_mem>>) src(%arg8 : memref<128x32xf32, #tpu.memory_space<vmem>>) dst(%dma_wait3A_353 : memref<128x32xf32, #tpu.memory_space<hbm>>)
      %add3A_354 = arith.constant 5 : i32
      %add3A_355 = arith.addi %add3A_331, %add3A_354 : i32
      %sub3A_356 = arith.constant 1 : i32
      %sub3A_357 = arith.subi %add3A_355, %sub3A_356 : i32
      %mul3A_358 = arith.constant 128 : i32
      %mul3A_359 = arith.muli %sub3A_357, %mul3A_358 : i32
      %dma_start3A_360 = tpu.memref_slice %arg5[%mul3A_359] : memref<6400xi32, #tpu.memory_space<vmem>> -> memref<128xi32, #tpu.memory_space<vmem>>
      %dma_start3A_361 = arith.constant 0 : i32
      %dma_start3A_362 = arith.constant 0 : i32
      %dma_start3A_363 = tpu.memref_slice %arg2[%dma_start3A_361, %dma_start3A_362] : memref<102400x32xf32, #tpu.memory_space<hbm>> -> memref<102400x32xf32, #tpu.memory_space<hbm>>
      tpu.enqueue_indirect_dma source(%dma_start3A_363 : memref<102400x32xf32, #tpu.memory_space<hbm>>) target(%arg8 : memref<128x32xf32, #tpu.memory_space<vmem>>) offsets(%dma_start3A_360 : memref<128xi32, #tpu.memory_space<vmem>>) semaphore(%arg13 : memref<!tpu.dma_semaphore, #tpu.memory_space<semaphore_mem>>)
      %add3A_364 = arith.constant 4 : i32
      %add3A_365 = arith.addi %mul3A_228, %add3A_364 : i32
      %mul3A_366 = arith.constant 128 : i32
      %mul3A_367 = arith.muli %add3A_365, %mul3A_366 : i32
      %dma_wait3A_368 = tpu.memref_slice %arg5[%mul3A_367] : memref<6400xi32, #tpu.memory_space<vmem>> -> memref<128xi32, #tpu.memory_space<vmem>>
      %dma_wait3A_369 = arith.constant 0 : i32
      %dma_wait3A_370 = arith.constant 0 : i32
      %dma_wait3A_371 = tpu.memref_slice %arg2[%dma_wait3A_369, %dma_wait3A_370] : memref<102400x32xf32, #tpu.memory_space<hbm>> -> memref<102400x32xf32, #tpu.memory_space<hbm>>
      tpu.wait_indirect_dma semaphore(%arg15 : memref<!tpu.dma_semaphore, #tpu.memory_space<semaphore_mem>>) src(%dma_wait3A_371 : memref<102400x32xf32, #tpu.memory_space<hbm>>) dst(%arg10 : memref<128x32xf32, #tpu.memory_space<vmem>>)
      %mul3A_372 = arith.constant 128 : i32
      %mul3A_373 = arith.muli %add3A_365, %mul3A_372 : i32
      %add3A_374 = arith.addi %mul3A_2, %mul3A_373 : i32
      %dma_start3A_375 = arith.constant 0 : i32
      %dma_start3A_376 = tpu.memref_slice %arg4[%add3A_374, %dma_start3A_375] : memref<204800x32xf32, #tpu.memory_space<hbm>> -> memref<128x32xf32, #tpu.memory_space<hbm>>
      %dma_start3A_377 = arith.constant 0 : i32
      %dma_start3A_378 = tpu.memref_slice %arg4[%add3A_374, %dma_start3A_377] : memref<204800x32xf32, #tpu.memory_space<hbm>> -> memref<128x32xf32, #tpu.memory_space<hbm>>
      tpu.enqueue_dma source(%arg10 : memref<128x32xf32, #tpu.memory_space<vmem>>) target(%dma_start3A_378 : memref<128x32xf32, #tpu.memory_space<hbm>>) target_semaphore(%arg20 : memref<!tpu.dma_semaphore, #tpu.memory_space<semaphore_mem>>)
      %sub3A_379 = arith.constant 1 : i32
      %sub3A_380 = arith.subi %add3A_365, %sub3A_379 : i32
      %mul3A_381 = arith.constant 128 : i32
      %mul3A_382 = arith.muli %sub3A_380, %mul3A_381 : i32
      %add3A_383 = arith.addi %mul3A_2, %mul3A_382 : i32
      %dma_wait3A_384 = arith.constant 0 : i32
      %dma_wait3A_385 = tpu.memref_slice %arg4[%add3A_383, %dma_wait3A_384] : memref<204800x32xf32, #tpu.memory_space<hbm>> -> memref<128x32xf32, #tpu.memory_space<hbm>>
      %dma_wait3A_386 = arith.constant 0 : i32
      %dma_wait3A_387 = tpu.memref_slice %arg4[%add3A_383, %dma_wait3A_386] : memref<204800x32xf32, #tpu.memory_space<hbm>> -> memref<128x32xf32, #tpu.memory_space<hbm>>
      tpu.wait_dma2 semaphore(%arg19 : memref<!tpu.dma_semaphore, #tpu.memory_space<semaphore_mem>>) src(%arg9 : memref<128x32xf32, #tpu.memory_space<vmem>>) dst(%dma_wait3A_387 : memref<128x32xf32, #tpu.memory_space<hbm>>)
      %add3A_388 = arith.constant 5 : i32
      %add3A_389 = arith.addi %add3A_365, %add3A_388 : i32
      %sub3A_390 = arith.constant 1 : i32
      %sub3A_391 = arith.subi %add3A_389, %sub3A_390 : i32
      %mul3A_392 = arith.constant 128 : i32
      %mul3A_393 = arith.muli %sub3A_391, %mul3A_392 : i32
      %dma_start3A_394 = tpu.memref_slice %arg5[%mul3A_393] : memref<6400xi32, #tpu.memory_space<vmem>> -> memref<128xi32, #tpu.memory_space<vmem>>
      %dma_start3A_395 = arith.constant 0 : i32
      %dma_start3A_396 = arith.constant 0 : i32
      %dma_start3A_397 = tpu.memref_slice %arg2[%dma_start3A_395, %dma_start3A_396] : memref<102400x32xf32, #tpu.memory_space<hbm>> -> memref<102400x32xf32, #tpu.memory_space<hbm>>
      tpu.enqueue_indirect_dma source(%dma_start3A_397 : memref<102400x32xf32, #tpu.memory_space<hbm>>) target(%arg9 : memref<128x32xf32, #tpu.memory_space<vmem>>) offsets(%dma_start3A_394 : memref<128xi32, #tpu.memory_space<vmem>>) semaphore(%arg14 : memref<!tpu.dma_semaphore, #tpu.memory_space<semaphore_mem>>)
    }
    %scan3A_129 = arith.constant 8 : i32
    %dma_wait3A_130 = arith.constant 5760 : i32
    %dma_wait3A_131 = tpu.memref_slice %arg5[%dma_wait3A_130] : memref<6400xi32, #tpu.memory_space<vmem>> -> memref<128xi32, #tpu.memory_space<vmem>>
    %dma_wait3A_132 = arith.constant 0 : i32
    %dma_wait3A_133 = arith.constant 0 : i32
    %dma_wait3A_134 = tpu.memref_slice %arg2[%dma_wait3A_132, %dma_wait3A_133] : memref<102400x32xf32, #tpu.memory_space<hbm>> -> memref<102400x32xf32, #tpu.memory_space<hbm>>
    tpu.wait_indirect_dma semaphore(%arg11 : memref<!tpu.dma_semaphore, #tpu.memory_space<semaphore_mem>>) src(%dma_wait3A_134 : memref<102400x32xf32, #tpu.memory_space<hbm>>) dst(%arg6 : memref<128x32xf32, #tpu.memory_space<vmem>>)
    %add3A_135 = arith.constant 5760 : i32
    %add3A_136 = arith.addi %mul3A_2, %add3A_135 : i32
    %dma_start3A_137 = arith.constant 0 : i32
    %dma_start3A_138 = tpu.memref_slice %arg4[%add3A_136, %dma_start3A_137] : memref<204800x32xf32, #tpu.memory_space<hbm>> -> memref<128x32xf32, #tpu.memory_space<hbm>>
    %dma_start3A_139 = arith.constant 0 : i32
    %dma_start3A_140 = tpu.memref_slice %arg4[%add3A_136, %dma_start3A_139] : memref<204800x32xf32, #tpu.memory_space<hbm>> -> memref<128x32xf32, #tpu.memory_space<hbm>>
    tpu.enqueue_dma source(%arg6 : memref<128x32xf32, #tpu.memory_space<vmem>>) target(%dma_start3A_140 : memref<128x32xf32, #tpu.memory_space<hbm>>) target_semaphore(%arg16 : memref<!tpu.dma_semaphore, #tpu.memory_space<semaphore_mem>>)
    %add3A_141 = arith.constant 5632 : i32
    %add3A_142 = arith.addi %mul3A_2, %add3A_141 : i32
    %dma_wait3A_143 = arith.constant 0 : i32
    %dma_wait3A_144 = tpu.memref_slice %arg4[%add3A_142, %dma_wait3A_143] : memref<204800x32xf32, #tpu.memory_space<hbm>> -> memref<128x32xf32, #tpu.memory_space<hbm>>
    %dma_wait3A_145 = arith.constant 0 : i32
    %dma_wait3A_146 = tpu.memref_slice %arg4[%add3A_142, %dma_wait3A_145] : memref<204800x32xf32, #tpu.memory_space<hbm>> -> memref<128x32xf32, #tpu.memory_space<hbm>>
    tpu.wait_dma2 semaphore(%arg20 : memref<!tpu.dma_semaphore, #tpu.memory_space<semaphore_mem>>) src(%arg10 : memref<128x32xf32, #tpu.memory_space<vmem>>) dst(%dma_wait3A_146 : memref<128x32xf32, #tpu.memory_space<hbm>>)
    %dma_start3A_147 = arith.constant 6272 : i32
    %dma_start3A_148 = tpu.memref_slice %arg5[%dma_start3A_147] : memref<6400xi32, #tpu.memory_space<vmem>> -> memref<128xi32, #tpu.memory_space<vmem>>
    %dma_start3A_149 = arith.constant 0 : i32
    %dma_start3A_150 = arith.constant 0 : i32
    %dma_start3A_151 = tpu.memref_slice %arg2[%dma_start3A_149, %dma_start3A_150] : memref<102400x32xf32, #tpu.memory_space<hbm>> -> memref<102400x32xf32, #tpu.memory_space<hbm>>
    tpu.enqueue_indirect_dma source(%dma_start3A_151 : memref<102400x32xf32, #tpu.memory_space<hbm>>) target(%arg10 : memref<128x32xf32, #tpu.memory_space<vmem>>) offsets(%dma_start3A_148 : memref<128xi32, #tpu.memory_space<vmem>>) semaphore(%arg15 : memref<!tpu.dma_semaphore, #tpu.memory_space<semaphore_mem>>)
    %dma_wait3A_152 = arith.constant 5888 : i32
    %dma_wait3A_153 = tpu.memref_slice %arg5[%dma_wait3A_152] : memref<6400xi32, #tpu.memory_space<vmem>> -> memref<128xi32, #tpu.memory_space<vmem>>
    %dma_wait3A_154 = arith.constant 0 : i32
    %dma_wait3A_155 = arith.constant 0 : i32
    %dma_wait3A_156 = tpu.memref_slice %arg2[%dma_wait3A_154, %dma_wait3A_155] : memref<102400x32xf32, #tpu.memory_space<hbm>> -> memref<102400x32xf32, #tpu.memory_space<hbm>>
    tpu.wait_indirect_dma semaphore(%arg12 : memref<!tpu.dma_semaphore, #tpu.memory_space<semaphore_mem>>) src(%dma_wait3A_156 : memref<102400x32xf32, #tpu.memory_space<hbm>>) dst(%arg7 : memref<128x32xf32, #tpu.memory_space<vmem>>)
    %add3A_157 = arith.constant 5888 : i32
    %add3A_158 = arith.addi %mul3A_2, %add3A_157 : i32
    %dma_start3A_159 = arith.constant 0 : i32
    %dma_start3A_160 = tpu.memref_slice %arg4[%add3A_158, %dma_start3A_159] : memref<204800x32xf32, #tpu.memory_space<hbm>> -> memref<128x32xf32, #tpu.memory_space<hbm>>
    %dma_start3A_161 = arith.constant 0 : i32
    %dma_start3A_162 = tpu.memref_slice %arg4[%add3A_158, %dma_start3A_161] : memref<204800x32xf32, #tpu.memory_space<hbm>> -> memref<128x32xf32, #tpu.memory_space<hbm>>
    tpu.enqueue_dma source(%arg7 : memref<128x32xf32, #tpu.memory_space<vmem>>) target(%dma_start3A_162 : memref<128x32xf32, #tpu.memory_space<hbm>>) target_semaphore(%arg17 : memref<!tpu.dma_semaphore, #tpu.memory_space<semaphore_mem>>)
    %dma_wait3A_163 = arith.constant 6016 : i32
    %dma_wait3A_164 = tpu.memref_slice %arg5[%dma_wait3A_163] : memref<6400xi32, #tpu.memory_space<vmem>> -> memref<128xi32, #tpu.memory_space<vmem>>
    %dma_wait3A_165 = arith.constant 0 : i32
    %dma_wait3A_166 = arith.constant 0 : i32
    %dma_wait3A_167 = tpu.memref_slice %arg2[%dma_wait3A_165, %dma_wait3A_166] : memref<102400x32xf32, #tpu.memory_space<hbm>> -> memref<102400x32xf32, #tpu.memory_space<hbm>>
    tpu.wait_indirect_dma semaphore(%arg13 : memref<!tpu.dma_semaphore, #tpu.memory_space<semaphore_mem>>) src(%dma_wait3A_167 : memref<102400x32xf32, #tpu.memory_space<hbm>>) dst(%arg8 : memref<128x32xf32, #tpu.memory_space<vmem>>)
    %add3A_168 = arith.constant 6016 : i32
    %add3A_169 = arith.addi %mul3A_2, %add3A_168 : i32
    %dma_start3A_170 = arith.constant 0 : i32
    %dma_start3A_171 = tpu.memref_slice %arg4[%add3A_169, %dma_start3A_170] : memref<204800x32xf32, #tpu.memory_space<hbm>> -> memref<128x32xf32, #tpu.memory_space<hbm>>
    %dma_start3A_172 = arith.constant 0 : i32
    %dma_start3A_173 = tpu.memref_slice %arg4[%add3A_169, %dma_start3A_172] : memref<204800x32xf32, #tpu.memory_space<hbm>> -> memref<128x32xf32, #tpu.memory_space<hbm>>
    tpu.enqueue_dma source(%arg8 : memref<128x32xf32, #tpu.memory_space<vmem>>) target(%dma_start3A_173 : memref<128x32xf32, #tpu.memory_space<hbm>>) target_semaphore(%arg18 : memref<!tpu.dma_semaphore, #tpu.memory_space<semaphore_mem>>)
    %dma_wait3A_174 = arith.constant 6144 : i32
    %dma_wait3A_175 = tpu.memref_slice %arg5[%dma_wait3A_174] : memref<6400xi32, #tpu.memory_space<vmem>> -> memref<128xi32, #tpu.memory_space<vmem>>
    %dma_wait3A_176 = arith.constant 0 : i32
    %dma_wait3A_177 = arith.constant 0 : i32
    %dma_wait3A_178 = tpu.memref_slice %arg2[%dma_wait3A_176, %dma_wait3A_177] : memref<102400x32xf32, #tpu.memory_space<hbm>> -> memref<102400x32xf32, #tpu.memory_space<hbm>>
    tpu.wait_indirect_dma semaphore(%arg14 : memref<!tpu.dma_semaphore, #tpu.memory_space<semaphore_mem>>) src(%dma_wait3A_178 : memref<102400x32xf32, #tpu.memory_space<hbm>>) dst(%arg9 : memref<128x32xf32, #tpu.memory_space<vmem>>)
    %add3A_179 = arith.constant 6144 : i32
    %add3A_180 = arith.addi %mul3A_2, %add3A_179 : i32
    %dma_start3A_181 = arith.constant 0 : i32
    %dma_start3A_182 = tpu.memref_slice %arg4[%add3A_180, %dma_start3A_181] : memref<204800x32xf32, #tpu.memory_space<hbm>> -> memref<128x32xf32, #tpu.memory_space<hbm>>
    %dma_start3A_183 = arith.constant 0 : i32
    %dma_start3A_184 = tpu.memref_slice %arg4[%add3A_180, %dma_start3A_183] : memref<204800x32xf32, #tpu.memory_space<hbm>> -> memref<128x32xf32, #tpu.memory_space<hbm>>
    tpu.enqueue_dma source(%arg9 : memref<128x32xf32, #tpu.memory_space<vmem>>) target(%dma_start3A_184 : memref<128x32xf32, #tpu.memory_space<hbm>>) target_semaphore(%arg19 : memref<!tpu.dma_semaphore, #tpu.memory_space<semaphore_mem>>)
    %dma_wait3A_185 = arith.constant 6272 : i32
    %dma_wait3A_186 = tpu.memref_slice %arg5[%dma_wait3A_185] : memref<6400xi32, #tpu.memory_space<vmem>> -> memref<128xi32, #tpu.memory_space<vmem>>
    %dma_wait3A_187 = arith.constant 0 : i32
    %dma_wait3A_188 = arith.constant 0 : i32
    %dma_wait3A_189 = tpu.memref_slice %arg2[%dma_wait3A_187, %dma_wait3A_188] : memref<102400x32xf32, #tpu.memory_space<hbm>> -> memref<102400x32xf32, #tpu.memory_space<hbm>>
    tpu.wait_indirect_dma semaphore(%arg15 : memref<!tpu.dma_semaphore, #tpu.memory_space<semaphore_mem>>) src(%dma_wait3A_189 : memref<102400x32xf32, #tpu.memory_space<hbm>>) dst(%arg10 : memref<128x32xf32, #tpu.memory_space<vmem>>)
    %add3A_190 = arith.constant 6272 : i32
    %add3A_191 = arith.addi %mul3A_2, %add3A_190 : i32
    %dma_start3A_192 = arith.constant 0 : i32
    %dma_start3A_193 = tpu.memref_slice %arg4[%add3A_191, %dma_start3A_192] : memref<204800x32xf32, #tpu.memory_space<hbm>> -> memref<128x32xf32, #tpu.memory_space<hbm>>
    %dma_start3A_194 = arith.constant 0 : i32
    %dma_start3A_195 = tpu.memref_slice %arg4[%add3A_191, %dma_start3A_194] : memref<204800x32xf32, #tpu.memory_space<hbm>> -> memref<128x32xf32, #tpu.memory_space<hbm>>
    tpu.enqueue_dma source(%arg10 : memref<128x32xf32, #tpu.memory_space<vmem>>) target(%dma_start3A_195 : memref<128x32xf32, #tpu.memory_space<hbm>>) target_semaphore(%arg20 : memref<!tpu.dma_semaphore, #tpu.memory_space<semaphore_mem>>)
    %add3A_196 = arith.constant 5760 : i32
    %add3A_197 = arith.addi %mul3A_2, %add3A_196 : i32
    %dma_wait3A_198 = arith.constant 0 : i32
    %dma_wait3A_199 = tpu.memref_slice %arg4[%add3A_197, %dma_wait3A_198] : memref<204800x32xf32, #tpu.memory_space<hbm>> -> memref<128x32xf32, #tpu.memory_space<hbm>>
    %dma_wait3A_200 = arith.constant 0 : i32
    %dma_wait3A_201 = tpu.memref_slice %arg4[%add3A_197, %dma_wait3A_200] : memref<204800x32xf32, #tpu.memory_space<hbm>> -> memref<128x32xf32, #tpu.memory_space<hbm>>
    tpu.wait_dma2 semaphore(%arg16 : memref<!tpu.dma_semaphore, #tpu.memory_space<semaphore_mem>>) src(%arg6 : memref<128x32xf32, #tpu.memory_space<vmem>>) dst(%dma_wait3A_201 : memref<128x32xf32, #tpu.memory_space<hbm>>)
    %add3A_202 = arith.constant 5888 : i32
    %add3A_203 = arith.addi %mul3A_2, %add3A_202 : i32
    %dma_wait3A_204 = arith.constant 0 : i32
    %dma_wait3A_205 = tpu.memref_slice %arg4[%add3A_203, %dma_wait3A_204] : memref<204800x32xf32, #tpu.memory_space<hbm>> -> memref<128x32xf32, #tpu.memory_space<hbm>>
    %dma_wait3A_206 = arith.constant 0 : i32
    %dma_wait3A_207 = tpu.memref_slice %arg4[%add3A_203, %dma_wait3A_206] : memref<204800x32xf32, #tpu.memory_space<hbm>> -> memref<128x32xf32, #tpu.memory_space<hbm>>
    tpu.wait_dma2 semaphore(%arg17 : memref<!tpu.dma_semaphore, #tpu.memory_space<semaphore_mem>>) src(%arg7 : memref<128x32xf32, #tpu.memory_space<vmem>>) dst(%dma_wait3A_207 : memref<128x32xf32, #tpu.memory_space<hbm>>)
    %add3A_208 = arith.constant 6016 : i32
    %add3A_209 = arith.addi %mul3A_2, %add3A_208 : i32
    %dma_wait3A_210 = arith.constant 0 : i32
    %dma_wait3A_211 = tpu.memref_slice %arg4[%add3A_209, %dma_wait3A_210] : memref<204800x32xf32, #tpu.memory_space<hbm>> -> memref<128x32xf32, #tpu.memory_space<hbm>>
    %dma_wait3A_212 = arith.constant 0 : i32
    %dma_wait3A_213 = tpu.memref_slice %arg4[%add3A_209, %dma_wait3A_212] : memref<204800x32xf32, #tpu.memory_space<hbm>> -> memref<128x32xf32, #tpu.memory_space<hbm>>
    tpu.wait_dma2 semaphore(%arg18 : memref<!tpu.dma_semaphore, #tpu.memory_space<semaphore_mem>>) src(%arg8 : memref<128x32xf32, #tpu.memory_space<vmem>>) dst(%dma_wait3A_213 : memref<128x32xf32, #tpu.memory_space<hbm>>)
    %add3A_214 = arith.constant 6144 : i32
    %add3A_215 = arith.addi %mul3A_2, %add3A_214 : i32
    %dma_wait3A_216 = arith.constant 0 : i32
    %dma_wait3A_217 = tpu.memref_slice %arg4[%add3A_215, %dma_wait3A_216] : memref<204800x32xf32, #tpu.memory_space<hbm>> -> memref<128x32xf32, #tpu.memory_space<hbm>>
    %dma_wait3A_218 = arith.constant 0 : i32
    %dma_wait3A_219 = tpu.memref_slice %arg4[%add3A_215, %dma_wait3A_218] : memref<204800x32xf32, #tpu.memory_space<hbm>> -> memref<128x32xf32, #tpu.memory_space<hbm>>
    tpu.wait_dma2 semaphore(%arg19 : memref<!tpu.dma_semaphore, #tpu.memory_space<semaphore_mem>>) src(%arg9 : memref<128x32xf32, #tpu.memory_space<vmem>>) dst(%dma_wait3A_219 : memref<128x32xf32, #tpu.memory_space<hbm>>)
    %add3A_220 = arith.constant 6272 : i32
    %add3A_221 = arith.addi %mul3A_2, %add3A_220 : i32
    %dma_wait3A_222 = arith.constant 0 : i32
    %dma_wait3A_223 = tpu.memref_slice %arg4[%add3A_221, %dma_wait3A_222] : memref<204800x32xf32, #tpu.memory_space<hbm>> -> memref<128x32xf32, #tpu.memory_space<hbm>>
    %dma_wait3A_224 = arith.constant 0 : i32
    %dma_wait3A_225 = tpu.memref_slice %arg4[%add3A_221, %dma_wait3A_224] : memref<204800x32xf32, #tpu.memory_space<hbm>> -> memref<128x32xf32, #tpu.memory_space<hbm>>
    tpu.wait_dma2 semaphore(%arg20 : memref<!tpu.dma_semaphore, #tpu.memory_space<semaphore_mem>>) src(%arg10 : memref<128x32xf32, #tpu.memory_space<vmem>>) dst(%dma_wait3A_225 : memref<128x32xf32, #tpu.memory_space<hbm>>)
    return
  }
}

module attributes {stable_mosaic.version = 14 : i64} {
  func.func @_linearize_kernel(%arg0: i32, %arg1: memref<32x25600xf32, #tpu.memory_space<vmem>>, %arg2: memref<6400x128xf32, #tpu.memory_space<vmem>>) attributes {dimension_semantics = [#tpu.dimension_semantics<arbitrary>], iteration_bounds = array<i64: 4>, scalar_prefetch = 0 : i64, scratch_operands = 0 : i64, tpu.core_type = #tpu.core_type<tc>, window_params = [{transform_indices = @transform_0, window_bounds = array<i64: 32, 25600>}, {transform_indices = @transform_1, window_bounds = array<i64: 6400, 128>}]} {
    %get3A = arith.constant 0 : index
    %get3A_0 = arith.constant 0 : index
    %get3A_1 = vector.load %arg1[%get3A, %get3A_0] : memref<32x25600xf32, #tpu.memory_space<vmem>>, vector<32x25600xf32>
    %iota3A = tpu.iota {dimensions = array<i32: 0>} : vector<32x32xi32>
    %iota3A_2 = tpu.iota {dimensions = array<i32: 1>} : vector<32x32xi32>
    %add3A = arith.constant 0 : i32
    %add3A_3 = vector.broadcast %add3A : i32 to vector<32x32xi32>
    %add3A_4 = arith.addi %iota3A, %add3A_3 : vector<32x32xi32>
    %eq3A = arith.cmpi eq, %add3A_4, %iota3A_2 : vector<32x32xi32>
    %convert_element_type3A = arith.extui %eq3A : vector<32x32xi1> to vector<32x32xi32>
    %convert_element_type3A_5 = arith.sitofp %convert_element_type3A : vector<32x32xi32> to vector<32x32xf32>
    %jit3A = arith.constant 0 : i32
    %convert_element_type3A_6 = arith.sitofp %jit3A : i32 to f32
    %pad3A = vector.broadcast %convert_element_type3A_6 : f32 to vector<32x96xf32>
    %pad3A_7 = tpu.concatenate %convert_element_type3A_5, %pad3A in 1 : vector<32x32xf32>, vector<32x96xf32> -> vector<32x128xf32>
    %slice3A = vector.extract_strided_slice %get3A_1 {offsets = [0, 0], sizes = [32, 6400], strides = [1, 1]} : vector<32x25600xf32> to vector<32x6400xf32>
    %dot_general3A = arith.constant dense<0.000000e+00> : vector<6400x128xf32>
    %dot_general3A_8 = tpu.matmul %slice3A, %pad3A_7, %dot_general3A {dimension_numbers = #tpu.dot_dimension_numbers<[0], [0], [1], [1], [0, 1, 1, 1], [], []>, transpose_lhs_hint = false} : vector<32x6400xf32>, vector<32x128xf32>, vector<6400x128xf32> -> vector<6400x128xf32>
    %jit3A_9 = arith.constant 0 : i32
    %convert_element_type3A_10 = arith.sitofp %jit3A_9 : i32 to f32
    %pad3A_11 = vector.broadcast %convert_element_type3A_10 : f32 to vector<32x32xf32>
    %pad3A_12 = tpu.concatenate %pad3A_11, %convert_element_type3A_5 in 1 : vector<32x32xf32>, vector<32x32xf32> -> vector<32x64xf32>
    %pad3A_13 = vector.broadcast %convert_element_type3A_10 : f32 to vector<32x64xf32>
    %pad3A_14 = tpu.concatenate %pad3A_12, %pad3A_13 in 1 : vector<32x64xf32>, vector<32x64xf32> -> vector<32x128xf32>
    %slice3A_15 = vector.extract_strided_slice %get3A_1 {offsets = [0, 6400], sizes = [32, 6400], strides = [1, 1]} : vector<32x25600xf32> to vector<32x6400xf32>
    %dot_general3A_16 = arith.constant dense<0.000000e+00> : vector<6400x128xf32>
    %dot_general3A_17 = tpu.matmul %slice3A_15, %pad3A_14, %dot_general3A_16 {dimension_numbers = #tpu.dot_dimension_numbers<[0], [0], [1], [1], [0, 1, 1, 1], [], []>, transpose_lhs_hint = false} : vector<32x6400xf32>, vector<32x128xf32>, vector<6400x128xf32> -> vector<6400x128xf32>
    %add3A_18 = arith.addf %dot_general3A_8, %dot_general3A_17 : vector<6400x128xf32>
    %jit3A_19 = arith.constant 0 : i32
    %convert_element_type3A_20 = arith.sitofp %jit3A_19 : i32 to f32
    %pad3A_21 = vector.broadcast %convert_element_type3A_20 : f32 to vector<32x64xf32>
    %pad3A_22 = tpu.concatenate %pad3A_21, %convert_element_type3A_5 in 1 : vector<32x64xf32>, vector<32x32xf32> -> vector<32x96xf32>
    %pad3A_23 = vector.broadcast %convert_element_type3A_20 : f32 to vector<32x32xf32>
    %pad3A_24 = tpu.concatenate %pad3A_22, %pad3A_23 in 1 : vector<32x96xf32>, vector<32x32xf32> -> vector<32x128xf32>
    %slice3A_25 = vector.extract_strided_slice %get3A_1 {offsets = [0, 12800], sizes = [32, 6400], strides = [1, 1]} : vector<32x25600xf32> to vector<32x6400xf32>
    %dot_general3A_26 = arith.constant dense<0.000000e+00> : vector<6400x128xf32>
    %dot_general3A_27 = tpu.matmul %slice3A_25, %pad3A_24, %dot_general3A_26 {dimension_numbers = #tpu.dot_dimension_numbers<[0], [0], [1], [1], [0, 1, 1, 1], [], []>, transpose_lhs_hint = false} : vector<32x6400xf32>, vector<32x128xf32>, vector<6400x128xf32> -> vector<6400x128xf32>
    %add3A_28 = arith.addf %add3A_18, %dot_general3A_27 : vector<6400x128xf32>
    %jit3A_29 = arith.constant 0 : i32
    %convert_element_type3A_30 = arith.sitofp %jit3A_29 : i32 to f32
    %pad3A_31 = vector.broadcast %convert_element_type3A_30 : f32 to vector<32x96xf32>
    %pad3A_32 = tpu.concatenate %pad3A_31, %convert_element_type3A_5 in 1 : vector<32x96xf32>, vector<32x32xf32> -> vector<32x128xf32>
    %slice3A_33 = vector.extract_strided_slice %get3A_1 {offsets = [0, 19200], sizes = [32, 6400], strides = [1, 1]} : vector<32x25600xf32> to vector<32x6400xf32>
    %dot_general3A_34 = arith.constant dense<0.000000e+00> : vector<6400x128xf32>
    %dot_general3A_35 = tpu.matmul %slice3A_33, %pad3A_32, %dot_general3A_34 {dimension_numbers = #tpu.dot_dimension_numbers<[0], [0], [1], [1], [0, 1, 1, 1], [], []>, transpose_lhs_hint = false} : vector<32x6400xf32>, vector<32x128xf32>, vector<6400x128xf32> -> vector<6400x128xf32>
    %add3A_36 = arith.addf %add3A_28, %dot_general3A_35 : vector<6400x128xf32>
    %swap3A = arith.constant 0 : index
    %swap3A_37 = arith.constant 0 : index
    %swap3A_38 = vector.load %arg2[%swap3A, %swap3A_37] : memref<6400x128xf32, #tpu.memory_space<vmem>>, vector<6400x128xf32>
    tpu.vector_store %arg2[%swap3A, %swap3A_37], %add3A_36 {strides = array<i32>} : memref<6400x128xf32, #tpu.memory_space<vmem>>, vector<6400x128xf32>,
    return
  }
  func.func @transform_0(%arg0: i32) -> (i32, i32) {
    %c0_i32 = arith.constant 0 : i32
    %c0_i32_0 = arith.constant 0 : i32
    return %c0_i32, %arg0 : i32, i32
  }
  func.func @transform_1(%arg0: i32) -> (i32, i32) {
    %c0_i32 = arith.constant 0 : i32
    %c0_i32_0 = arith.constant 0 : i32
    return %arg0, %c0_i32 : i32, i32
  }
}

module attributes {stable_mosaic.version = 14 : i64} {
  func.func @_matmul_kernel(%arg0: i32, %arg1: memref<6400x128xf32, #tpu.memory_space<vmem>>, %arg2: memref<128x512xf32, #tpu.memory_space<vmem>>, %arg3: memref<25600x128xf32, #tpu.memory_space<vmem>>) attributes {dimension_semantics = [#tpu.dimension_semantics<arbitrary>], iteration_bounds = array<i64: 8>, scalar_prefetch = 0 : i64, scratch_operands = 0 : i64, tpu.core_type = #tpu.core_type<tc>, window_params = [{transform_indices = @transform_0, window_bounds = array<i64: 6400, 128>}, {pipeline_mode = #tpu.pipeline_mode<synchronous>, transform_indices = @transform_1, window_bounds = array<i64: 128, 512>}, {transform_indices = @transform_2, window_bounds = array<i64: 25600, 128>}]} {
    %get3A = arith.constant 0 : index
    %get3A_0 = arith.constant 0 : index
    %get3A_1 = vector.load %arg1[%get3A, %get3A_0] : memref<6400x128xf32, #tpu.memory_space<vmem>>, vector<6400x128xf32>
    %get3A_2 = arith.constant 0 : index
    %get3A_3 = arith.constant 0 : index
    %get3A_4 = vector.load %arg2[%get3A_2, %get3A_3] : memref<128x512xf32, #tpu.memory_space<vmem>>, vector<128x512xf32>
    %dot_general3A = arith.constant dense<0.000000e+00> : vector<6400x512xf32>
    %dot_general3A_5 = tpu.matmul %get3A_1, %get3A_4, %dot_general3A {dimension_numbers = #tpu.dot_dimension_numbers<[1], [0], [0], [1], [0, 0, 1, 1], [], []>, transpose_lhs_hint = false} : vector<6400x128xf32>, vector<128x512xf32>, vector<6400x512xf32> -> vector<6400x512xf32>
    %reshape3A = vector.shape_cast %dot_general3A_5 : vector<6400x512xf32> to vector<25600x128xf32>
    %swap3A = arith.constant 0 : index
    %swap3A_6 = arith.constant 0 : index
    %swap3A_7 = vector.load %arg3[%swap3A, %swap3A_6] : memref<25600x128xf32, #tpu.memory_space<vmem>>, vector<25600x128xf32>
    tpu.vector_store %arg3[%swap3A, %swap3A_6], %reshape3A {strides = array<i32>} : memref<25600x128xf32, #tpu.memory_space<vmem>>, vector<25600x128xf32>,
    return
  }
  func.func @transform_0(%arg0: i32) -> (i32, i32) {
    %c0_i32 = arith.constant 0 : i32
    %c0_i32_0 = arith.constant 0 : i32
    return %arg0, %c0_i32 : i32, i32
  }
  func.func @transform_1(%arg0: i32) -> (i32, i32) {
    %c0_i32 = arith.constant 0 : i32
    %c0_i32_0 = arith.constant 0 : i32
    %c0_i32_1 = arith.constant 0 : i32
    return %c0_i32, %c0_i32_0 : i32, i32
  }
  func.func @transform_2(%arg0: i32) -> (i32, i32) {
    %c0_i32 = arith.constant 0 : i32
    %c0_i32_0 = arith.constant 0 : i32
    return %arg0, %c0_i32 : i32, i32
  }
}

</mosaic_0001>

<sc_bundles>
// kernel: kernel.5.cloned.1.call-start
scs
__scs_entry_jumppad:
0x0: {  	(pc) =	sbr.rel $0x88, $3  }
0x1: {  	(tag) =	ssettag $0x0;
	lr =	simm.s32 $0x1  }
0x2: {  	[smem:$0x3F9E] =	sst lr;
	_ =	strace $0xD0000000  }
0x3: {  	_ = 	snop  }
0x4: {  	_ = 	snop  }
0x5: {  	_ = 	snop  }
0x6: {  	_ = 	snop  }
0x7: {  	_ = 	snop  }
__scs_overlays_trampoline_lowered:
0x8: {  	[smem:$0x3FAD] =	sst s0  }
0x9: {  	[smem:$0x3FAE] =	sst s1  }
0xa: {  	[smem:$0x3FAF] =	sst s2  }
0xb: {  	[smem:$0x3FB0] =	sst s3  }
0xc: {  	[smem:$0x3FB1] =	sst s4  }
0xd: {  	[smem:$0x3FB2] =	sst s5  }
0xe: {  	[smem:$0x3FB3] =	sst s6  }
0xf: {  	[smem:$0x3FB4] =	sst s7  }
0x10: {  	[smem:$0x3FB5] =	sst s8  }
0x11: {  	[smem:$0x3FB6] =	sst s9;
	s0 =	simm.s32 @!p0 $0x0  }
0x12: {  	s1 =	sld [smem:$0x3F9C];
	s0 =	simm.s32 @p0 $0x1  }
0x13: {  	[smem:$0x3FB7] =	sst s0;
	s0 =	simm.s32 @!p1 $0x0  }
0x14: {  	s2 =	sld [smem:$0x3F9B];
	s0 =	simm.s32 @p1 $0x1  }
0x15: {  	[smem:$0x3FB8] =	sst s0;
	s0 =	simm.s32 @!p2 $0x0  }
0x16: {  	s3 =	sld [smem:$0x3FDB];
	s0 =	simm.s32 @p2 $0x1  }
0x17: {  	s4 =	simm.s32 $0x1BF5;
	[smem:$0x3FBA] =	sst s0  }
0x18: {  	s0 =	sld [smem:$0x3F9D];
	_ =	swait.ge [sflag:s4], $0x0  }
0x19: {  	s7 =	sld [smem:$0x3F9E]  }
0x1a: {  	s8 =	sadd.s32 $0xFFFFE003, lr  }
0x1b: {  	s9 =	sadd.s32 $0xFFFFFEF7, lr;
	s5 =	simm.s32 $0xFFFFFFFF;
	p2 =	slt.u32 s8, $0xFFFFF086  }
0x1c: {  	p1 =	slt.u32 s9, $0xF7A;
	s5 =	simm.s32 @!p2 $0x0  }
0x1d: {  	s5 =	simm.s32 @p1 $0x1;
	p0 =	seq.s32 s7, s2  }
0x1e: {  	s7 =	smul.u32 @!p0 $0xF7A, s2;
	p2 =	seq.s32 @!p0 s5, $0x0  }
0x1f: {  	s9 =	smul.u32 $0xF7A, s1;
	s8 =	simm.s32 @!p0 $0x1BF5;
	p2 =	por !p2, p0  }
0x20: {  	[sflag:s8] =	ssyncset.s32 @!p0 $0xFFFFF086;
	s6 =	sadd.s32 @!p0 s3, s7;
	s7 =	simm.s32 @!p0 $0x108  }
0x21: {  	s3 =	sadd.s32 s3, s9;
	s6 =	sadd.s32 @!p0 $0x88, s6;
	s7 =	simm.s32 @p2 $0x1082  }
0x22: {  	[simem:s7], [sflag:s8] =	dma.local @!p0 [hbm:s6], $0xF7A  }
0x23: {  	s9 =	sor.u32 $0xD0000000, s2;
	s6 =	simm.s32 $0x108;
	_ =	swait.ge @!p0 [sflag:s8], $0x0  }
0x24: {  	s3 =	sadd.s32 $0x88, s3;
	s6 =	simm.s32 @!p1 $0x1082;
	[sflag:s4] =	ssyncset.s32 $0xFFFFF086  }
0x25: {  	[simem:s6], [sflag:s4] =	dma.local [hbm:s3], $0xF7A  }
0x26: {  	[smem:$0x3F9E] =	sst s1;
	(tag) =	ssettag s2;
	_ =	strace s9  }
0x27: {  	s1 =	sld [smem:$0x3FAE]  }
0x28: {  	s2 =	sld [smem:$0x3FAF]  }
0x29: {  	s4 =	sld [smem:$0x3FB1]  }
0x2a: {  	p0 =	seq.s32 s5, $0x0;
	s5 =	sld [smem:$0x3FB2]  }
0x2b: {  	s6 =	sld [smem:$0x3FB3]  }
0x2c: {  	s7 =	sld [smem:$0x3FB4]  }
0x2d: {  	s3 =	simm.s32 $0x108;
	s8 =	sld [smem:$0x3FB5]  }
0x2e: {  	s3 =	simm.s32 @!p0 $0x1082;
	s9 =	sld [smem:$0x3FB6]  }
0x2f: {  	lr =	sadd.s32 s0, s3;
	s0 =	sld [smem:$0x3FAD]  }
0x30: {  	s3 =	sld [smem:$0x3FB0]  }
0x31: {  	[smem:$0x3FB9] =	sst s10  }
0x32: {  	s10 =	sld [smem:$0x3FB7];
	_ =	sdelay $0x3  }
0x33: {  	p0 =	seq.s32 s10, $0x1;
	s10 =	sld [smem:$0x3FB9];
	_ =	sdelay $0x3  }
0x34: {  	[smem:$0x3FB9] =	sst s10  }
0x35: {  	s10 =	sld [smem:$0x3FB8];
	_ =	sdelay $0x3  }
0x36: {  	p1 =	seq.s32 s10, $0x1;
	s10 =	sld [smem:$0x3FB9];
	_ =	sdelay $0x3  }
0x37: {  	[smem:$0x3FB9] =	sst s10  }
0x38: {  	s10 =	sld [smem:$0x3FBA]  }
0x39: {  	_ = 	snop;
	(pc) =	sbr.ind lr, $3  }
0x3a: {  	_ = 	snop  }
0x3b: {  	_ = 	snop  }
0x3c: {  	p2 =	seq.s32 s10, $0x1;
	s10 =	sld [smem:$0x3FB9]  }
0x3d: {  	_ =	shalt  }
0x3e: {  	_ =	shalt  }
0x3f: {  	_ =	shalt  }
0x40: {  	_ =	shalt  }
0x41: {  	_ =	shalt  }
0x42: {  	_ =	shalt  }
0x43: {  	_ =	shalt  }
0x44: {  	_ =	shalt  }
0x45: {  	_ =	shalt  }
0x46: {  	_ =	shalt  }
0x47: {  	_ =	shalt  }
0x48: {  	_ =	shalt  }
0x49: {  	_ =	shalt  }
0x4a: {  	_ =	shalt  }
0x4b: {  	_ =	shalt  }
0x4c: {  	_ =	shalt  }
0x4d: {  	_ =	shalt  }
0x4e: {  	_ =	shalt  }
0x4f: {  	_ =	shalt  }
0x50: {  	_ =	shalt  }
0x51: {  	_ =	shalt  }
0x52: {  	_ =	shalt  }
0x53: {  	_ =	shalt  }
0x54: {  	_ =	shalt  }
0x55: {  	_ =	shalt  }
0x56: {  	_ =	shalt  }
0x57: {  	_ =	shalt  }
0x58: {  	_ =	shalt  }
0x59: {  	_ =	shalt  }
0x5a: {  	_ =	shalt  }
0x5b: {  	_ =	shalt  }
0x5c: {  	_ =	shalt  }
0x5d: {  	_ =	shalt  }
0x5e: {  	_ =	shalt  }
0x5f: {  	_ =	shalt  }
0x60: {  	_ =	shalt  }
0x61: {  	_ =	shalt  }
0x62: {  	_ =	shalt  }
0x63: {  	_ =	shalt  }
0x64: {  	_ =	shalt  }
0x65: {  	_ =	shalt  }
0x66: {  	_ =	shalt  }
0x67: {  	_ =	shalt  }
0x68: {  	_ =	shalt  }
0x69: {  	_ =	shalt  }
0x6a: {  	_ =	shalt  }
0x6b: {  	_ =	shalt  }
0x6c: {  	_ =	shalt  }
0x6d: {  	_ =	shalt  }
0x6e: {  	_ =	shalt  }
0x6f: {  	_ =	shalt  }
0x70: {  	_ =	shalt  }
0x71: {  	_ =	shalt  }
0x72: {  	_ =	shalt  }
0x73: {  	_ =	shalt  }
0x74: {  	_ =	shalt  }
0x75: {  	_ =	shalt  }
0x76: {  	_ =	shalt  }
0x77: {  	_ =	shalt  }
0x78: {  	_ =	shalt  }
0x79: {  	_ =	shalt  }
0x7a: {  	_ =	shalt  }
0x7b: {  	_ =	shalt  }
0x7c: {  	_ =	shalt  }
0x7d: {  	_ =	shalt  }
0x7e: {  	_ =	shalt  }
0x7f: {  	_ =	shalt  }
0x80: {  	_ =	shalt  }
0x81: {  	_ =	shalt  }
0x82: {  	_ =	shalt  }
0x83: {  	_ =	shalt  }
0x84: {  	_ =	shalt  }
0x85: {  	_ =	shalt  }
0x86: {  	_ =	shalt  }
0x87: {  	_ =	shalt  }
.Lfunc_end0:
.L_simem_size_0:
called_computation_lowered:
.L_overlay_start_0:
0x88: {  	s2 =	sld [smem:$0x3FD9]  }
0x89: {  	s3 =	sld [smem:$0x3FFE];
	_ =	sdelay $0x1  }
0x8a: {  	s1 =	srdreg.scid  }
0x8b: {  	s0 =	sand.u32 $0x1, s1  }
0x8c: {  	s17 =	sshll.u32 s0, $0xA;
	s2 =	sadd.s32 s3, s2  }
0x8d: {  	s2 =	sadd.s32 s2, s17  }
0x8e: {  	[smem:$0x3FC5] =	sst s2  }
0x8f: {  	_ = 	snop  }
0x90: {  	s2 =	sld [smem:$0x3FD0];
	(tm) =	ssettm $0x1  }
0x91: {  	s18 =	sld [smem:$0x3FFB];
	_ =	sdelay $0x3  }
0x92: {  	_ =	strace s18  }
0x93: {  	s3 =	sld [smem:$0x3FFC];
	_ =	sdelay $0x3  }
0x94: {  	_ =	strace s3  }
0x95: {  	s3 =	sld [smem:$0x3FFD];
	_ =	sdelay $0x3  }
0x96: {  	_ =	strace s3  }
0x97: {  	_ =	strace $0x8FFFFFFF  }
0x98: {  	s19 =	sld [smem:$0x3FDB];
	_ =	sdelay $0x1  }
0x99: {  	s4 =	simm.s32 $_scs_section_size  }
0x9a: {  	s5 =	simm.s32 $_size__tile_overlayer_lowered;
	s6 =	simm.s32 $_tile_overlayer_lowered  }
0x9b: {  	s22 =	simm.s32 $0x1BFF;
	s21 =	sshll.u32 s6, $0x1;
	s3 =	sadd.s32 s4, s19  }
0x9c: {  	s7 =	simm.s32 $0x0;
	s20 =	sshll.u32 s5, $0x1;
	s5 =	sadd.s32 s21, s3  }
0x9d: {  	[timem:s7], [sflag:s22] =	dma.local [hbm:s5], s20  }
0x9e: {  	_ =	swait.ge [sflag:s22], s20  }
0x9f: {  	s4 =	ssub.s32 $0x0, s20;
	[sflag:s22] =	ssyncset.done $0x0  }
0xa0: {  	[sflag:s22] =	ssyncadd.s32 s4;
	_ =	sdelay $0x1  }
0xa1: {  	s23 =	simm.s32 $0x1B8B  }
0xa2: {  	_ =	swait.ge [sflag:s23], $0x1  }
0xa3: {  	[sflag:s23] =	ssyncset.done $0x0  }
0xa4: {  	s25 =	simm.s32 $0x1B8E;
	s24 =	sld [smem:$0x3FFE];
	[sflag:s23] =	ssyncadd.s32 $0xFFFFFFFF  }
0xa5: {  	s26 =	simm.s32 $execute0_lowered;
	[smem:$0x3FD2] =	sst s25  }
0xa6: {  	s5 =	sshll.u32 s26, $0x1;
	_ =	strace $0x80000046;
	[dreg:$0x1] =	wrdreg $0xFFFFFFFF  }
0xa7: {  	s28 =	simm.s32 $_size_execute0_lowered;
	s3 =	sadd.s32 s3, s5;
	[dreg:$0x0] =	wrdreg $0x0  }
0xa8: {  	s5 =	sshll.u32 s28, $0x1;
	[dreg:$0x2] =	wrdreg s3  }
0xa9: {  	[dreg:$0x3] =	wrdreg s5  }
0xaa: {  	[dreg:$0x4] =	wrdreg $0xC0  }
0xab: {  	_ =	task [dreg:s7], $0x5FFFF  }
0xac: {  	[dreg:$0x1] =	wrdreg $0xFFFFFFFF  }
0xad: {  	[dreg:$0x0] =	wrdreg $0x60  }
0xae: {  	[dreg:$0x2] =	wrdreg s2  }
0xaf: {  	[dreg:$0x3] =	wrdreg s24  }
0xb0: {  	[dreg:$0x4] =	wrdreg $0x9  }
0xb1: {  	_ =	task.clear_ibuf [dreg:s7], $0x5FFFF;
	_ =	strace $0x90000046  }
0xb2: {  	s29 =	simm.s32 $0x9;
	_ =	strace $0x80000048  }
0xb3: {  	_ =	swait.ge [sflag:s29], $0x1  }
0xb4: {  	[sflag:s29] =	ssyncadd.s32 $0xFFFFFFFF  }
0xb5: {  	_ =	strace $0x90000048  }
0xb6: {  	_ =	sfence  }
0xb7: {  	s30 =	sld [smem:$0x0];
	_ =	sdelay $0x2  }
0xb8: {  	s31 =	sshll.u32 s1, $0xD;
	s1 =	sshrl.u32 s1, $0x2  }
0xb9: {  	s3 =	sand.u32 $0x4000, s31;
	s1 =	sadd.s32 s1, s30  }
0xba: {  	s0 =	sor.u32 s3, s0;
	s1 =	sshll.u32 s1, $0x11  }
0xbb: {  	s0 =	sor.u32 s1, s0  }
0xbc: {  	s0 =	sadd.s32 $0x8F2B, s0  }
0xbd: {  	[sflag:s0] =	ssyncadd.remote.s32 $0x1  }
0xbe: {  	_ =	sfence.sel $0xFFFF  }
0xbf: {  	[dreg:$0x0] =	wrdreg $0xFFFFFFFF;
	(pc) =	sbr.abs _section_cstart, $3  }
0xc0: {  	[dreg:$0x1] =	wrdreg $0xFFFFFFFF  }
0xc1: {  	_ =	task.clear_ibuf [dreg:s7], $0x2FFFF;
	_ =	strace $0x9FFFFFFF  }
0xc2: {  	(tm) =	ssettm $0x7FFFFFFF  }
0xc3: {  	_ =	shalt  }
tec
execute0_lowered:
.L_overlay_start_1:
0x0: {  	(tag) =	ssettag $0x1  }
0x1: {  	s2 =	rddreg [dreg:$0x0];
	s0 =	srdreg.scid  }
0x2: {  	s9 =	stileid.u32;
	s1 =	rddreg [dreg:$0x1];
	s3 =	simm.s32 $0x0  }
0x3: {  	s18 =	simm.s32 $0xB;
	s19 =	simm.s32 $0x80;
	s29 =	simm.s32 $0x5900  }
0x4: {  	s0 =	sand.u32 $0x1, s0;
	s4 =	sshll.u32 s9, $0x1;
	s9 =	smul.u32 $0x3200, s9  }
0x5: {  	s4 =	sor.u32 s0, s4;
	s7 =	ssub.s32 $0x2, s0;
	s0 =	smul.u32 $0x1900, s0  }
0x6: {  	s30 =	simm.s32 $0x2;
	s31 =	simm.s32 $0x6;
	s5 =	smul.u32 $0x1900, s4  }
0x7: {  	s28 =	simm.s32 $0x4;
	[smem:$0x7FF] =	sst s3;
	s6 =	smul.u32 $0x6400, s4  }
0x8: {  	_ =	strace $0x80000047;
	s4 =	smul.u32 $0x32000, s4;
	s8 =	sshrl.u32 s7, $0x1  }
0x9: {  	s7 =	ssub.s32 s7, s8;
	s0 =	sadd.s32 s0, s9;
	s5 =	sshrl.u32 s5, $0x3  }
0xa: {  	s4 =	sshrl.u32 s4, $0x3;
	s0 =	sshll.u32 s0, $0x2;
	s15 =	smax.u32 s7, $0x1  }
0xb: {  	s7 =	simm.s32 $0x0;
	s5 =	sadd.s32 s5, s1;
	s1 =	sadd.s32 $0x6E00, s1  }
0xc: {  	s5 =	sadd.s32 $0xA00, s5;
	s20 =	sadd.s32 s1, s6;
	s4 =	sadd.s32 s1, s4  }
0xd: {  	s0 =	sadd.s32 s1, s0;
	s6 =	simm.s32 $0xA;
	[dreg:$0x6] =	wrdreg s5  }
0xe: {  	[dreg:$0x7] =	wrdreg s20;
	s5 =	sadd.s32 $0x200, s20;
	s21 =	sadd.s32 $0x400, s4  }
0xf: {  	s22 =	sadd.s32 $0x600, s4;
	s23 =	sadd.s32 $0x800, s4;
	[dreg:$0x8] =	wrdreg s5  }
0x10: {  	s24 =	sadd.s32 $0x5A00, s4;
	s11 =	sadd.s32 $0x5C00, s4;
	[dreg:$0x9] =	wrdreg s21  }
0x11: {  	s12 =	sadd.s32 $0x5E00, s4;
	s1 =	sadd.s32 $0x1000, s0;
	[dreg:$0xa] =	wrdreg s22  }
0x12: {  	s13 =	sadd.s32 $0x6000, s4;
	s25 =	sadd.s32 $0xE00, s0;
	[dreg:$0xb] =	wrdreg s23  }
0x13: {  	s14 =	sadd.s32 $0x6200, s4;
	s26 =	sadd.s32 $0xC00, s0;
	[dreg:$0xc] =	wrdreg s24  }
0x14: {  	s16 =	sadd.s32 $0x1200, s0;
	s17 =	sadd.s32 $0xA00, s0;
	[dreg:$0x3] =	wrdreg s1  }
0x15: {  	s20 =	simm.s32 $0x1900;
	s0 =	simm.s32 $0x3;
	[dreg:$0x4] =	wrdreg s25  }
0x16: {  	s4 =	simm.s32 $0x9;
	[dreg:$0x5] =	wrdreg s26;
	s21 =	simm.s32 $0x2900  }
0x17: {  	s23 =	simm.s32 $0x3900;
	s25 =	simm.s32 $0x4900;
	s26 =	simm.s32 $0x1  }
0x18: {  	s22 =	simm.s32 $0x7;
	s1 =	simm.s32 $0x8;
	s24 =	simm.s32 $0x5  }
.LBB2_1:
0x19: {  	s5 =	rddreg [dreg:$0x6]  }
0x1a: {  	[tilespmem:s3], [sflag:$0xB] =	stream.linear.gather [hbm4b:s5+s3], $0x1900, $0x38;
	[tilespmem:$0x6900] =	vst v63  }
0x1b: {  	_ =	swait.ge [sflag:s18], $0x1900  }
0x1c: {  	[sflag:s18] =	ssyncset.done $0x0  }
0x1d: {  	[sflag:s18] =	ssyncadd.s32 $0xFFFFE700  }
0x1e: {  	[tilespmem:s20], [sflag:$0x1] =	stream.indirect.gather [hbm4b:s2+s19], $0x20, s3, s19, $0xb8;
	[tilespmem:$0x6900] =	vst v63  }
0x1f: {  	_ = 	snop  }
0x20: {  	[tilespmem:s21], [sflag:$0x2] =	stream.indirect.gather [hbm4b:s2+s19], $0x20, s19, s19, $0xb8;
	[tilespmem:$0x6900] =	vst v63  }
0x21: {  	s9 =	simm.s32 $0x100  }
0x22: {  	[tilespmem:s23], [sflag:$0x3] =	stream.indirect.gather [hbm4b:s2+s19], $0x20, s9, s19, $0xb8;
	[tilespmem:$0x6900] =	vst v63  }
0x23: {  	s10 =	simm.s32 $0x180  }
0x24: {  	[tilespmem:s25], [sflag:$0x4] =	stream.indirect.gather [hbm4b:s2+s19], $0x20, s10, s19, $0xb8;
	[tilespmem:$0x6900] =	vst v63  }
0x25: {  	_ =	swait.ge [sflag:s26], $0x1000  }
0x26: {  	[sflag:s26] =	ssyncset.done $0x0  }
0x27: {  	s8 =	rddreg [dreg:$0x7];
	[sflag:s26] =	ssyncadd.s32 $0xFFFFF000  }
0x28: {  	[hbm4b:s8+s3] =	stream.linear.scatter [tilespmem:s20], [sflag:$0x6], $0x1000, $0x38;
	[tilespmem:$0x6900] =	vst v63  }
0x29: {  	s9 =	simm.s32 $0x200  }
0x2a: {  	[tilespmem:s29], [sflag:$0x5] =	stream.indirect.gather [hbm4b:s2+s19], $0x20, s9, s19, $0xb8;
	[tilespmem:$0x6900] =	vst v63  }
0x2b: {  	_ =	swait.ge [sflag:s30], $0x1000  }
0x2c: {  	[sflag:s30] =	ssyncset.done $0x0  }
0x2d: {  	s10 =	rddreg [dreg:$0x8];
	[sflag:s30] =	ssyncadd.s32 $0xFFFFF000  }
0x2e: {  	[hbm4b:s10+s3] =	stream.linear.scatter [tilespmem:s21], [sflag:$0x7], $0x1000, $0x38;
	[tilespmem:$0x6900] =	vst v63  }
0x2f: {  	_ =	swait.ge [sflag:s31], $0x1000  }
0x30: {  	[sflag:s31] =	ssyncset.done $0x0  }
0x31: {  	s8 =	simm.s32 $0x280;
	[sflag:s31] =	ssyncadd.s32 $0xFFFFF000  }
0x32: {  	[tilespmem:s20], [sflag:$0x1] =	stream.indirect.gather [hbm4b:s2+s19], $0x20, s8, s19, $0xb8;
	[tilespmem:$0x6900] =	vst v63  }
0x33: {  	_ =	swait.ge [sflag:s0], $0x1000  }
0x34: {  	[sflag:s0] =	ssyncset.done $0x0  }
0x35: {  	s9 =	rddreg [dreg:$0x9];
	[sflag:s0] =	ssyncadd.s32 $0xFFFFF000  }
0x36: {  	[hbm4b:s9+s3] =	stream.linear.scatter [tilespmem:s23], [sflag:$0x8], $0x1000, $0x38;
	[tilespmem:$0x6900] =	vst v63  }
0x37: {  	_ =	swait.ge [sflag:s22], $0x1000  }
0x38: {  	[sflag:s22] =	ssyncset.done $0x0  }
0x39: {  	s10 =	simm.s32 $0x300;
	[sflag:s22] =	ssyncadd.s32 $0xFFFFF000  }
0x3a: {  	[tilespmem:s21], [sflag:$0x2] =	stream.indirect.gather [hbm4b:s2+s19], $0x20, s10, s19, $0xb8;
	[tilespmem:$0x6900] =	vst v63  }
0x3b: {  	_ =	swait.ge [sflag:s28], $0x1000  }
0x3c: {  	[sflag:s28] =	ssyncset.done $0x0  }
0x3d: {  	s8 =	rddreg [dreg:$0xa];
	[sflag:s28] =	ssyncadd.s32 $0xFFFFF000  }
0x3e: {  	[hbm4b:s8+s3] =	stream.linear.scatter [tilespmem:s25], [sflag:$0x9], $0x1000, $0x38;
	[tilespmem:$0x6900] =	vst v63  }
0x3f: {  	_ =	swait.ge [sflag:s1], $0x1000  }
0x40: {  	[sflag:s1] =	ssyncset.done $0x0  }
0x41: {  	s9 =	simm.s32 $0x380;
	[sflag:s1] =	ssyncadd.s32 $0xFFFFF000  }
0x42: {  	[tilespmem:s23], [sflag:$0x3] =	stream.indirect.gather [hbm4b:s2+s19], $0x20, s9, s19, $0xb8;
	[tilespmem:$0x6900] =	vst v63  }
0x43: {  	_ =	swait.ge [sflag:s24], $0x1000  }
0x44: {  	[sflag:s24] =	ssyncset.done $0x0  }
0x45: {  	s10 =	rddreg [dreg:$0xb];
	[sflag:s24] =	ssyncadd.s32 $0xFFFFF000  }
0x46: {  	[hbm4b:s10+s3] =	stream.linear.scatter [tilespmem:s29], [sflag:$0xA], $0x1000, $0x38;
	[tilespmem:$0x6900] =	vst v63  }
0x47: {  	_ =	swait.ge [sflag:s4], $0x1000  }
0x48: {  	[sflag:s4] =	ssyncset.done $0x0  }
0x49: {  	s8 =	simm.s32 $0x400;
	[sflag:s4] =	ssyncadd.s32 $0xFFFFF000  }
0x4a: {  	[tilespmem:s25], [sflag:$0x4] =	stream.indirect.gather [hbm4b:s2+s19], $0x20, s8, s19, $0xb8;
	[tilespmem:$0x6900] =	vst v63  }
0x4b: {  	_ =	swait.ge [sflag:s26], $0x1000  }
0x4c: {  	[sflag:s26] =	ssyncset.done $0x0  }
0x4d: {  	s8 =	sadd.s32 $0x0, s17;
	[sflag:s26] =	ssyncadd.s32 $0xFFFFF000  }
0x4e: {  	[hbm4b:s8+s3] =	stream.linear.scatter [tilespmem:s20], [sflag:$0x6], $0x1000, $0x38;
	[tilespmem:$0x6900] =	vst v63  }
0x4f: {  	_ =	swait.ge [sflag:s6], $0x1000  }
0x50: {  	[sflag:s6] =	ssyncset.done $0x0  }
0x51: {  	s9 =	simm.s32 $0x480;
	[sflag:s6] =	ssyncadd.s32 $0xFFFFF000  }
0x52: {  	[tilespmem:s29], [sflag:$0x5] =	stream.indirect.gather [hbm4b:s2+s19], $0x20, s9, s19, $0xb8;
	[tilespmem:$0x6900] =	vst v63  }
0x53: {  	_ =	swait.ge [sflag:s30], $0x1000  }
0x54: {  	s10 =	rddreg [dreg:$0x5];
	[sflag:s30] =	ssyncset.done $0x0  }
0x55: {  	[sflag:s30] =	ssyncadd.s32 $0xFFFFF000;
	s8 =	sadd.s32 $0x0, s10  }
0x56: {  	[hbm4b:s8+s3] =	stream.linear.scatter [tilespmem:s21], [sflag:$0x7], $0x1000, $0x38;
	[tilespmem:$0x6900] =	vst v63  }
0x57: {  	_ =	swait.ge [sflag:s31], $0x1000  }
0x58: {  	[sflag:s31] =	ssyncset.done $0x0  }
0x59: {  	s5 =	simm.s32 $0x500;
	[sflag:s31] =	ssyncadd.s32 $0xFFFFF000  }
0x5a: {  	[tilespmem:s20], [sflag:$0x1] =	stream.indirect.gather [hbm4b:s2+s19], $0x20, s5, s19, $0xb8;
	[tilespmem:$0x6900] =	vst v63  }
0x5b: {  	_ =	swait.ge [sflag:s0], $0x1000  }
0x5c: {  	s9 =	rddreg [dreg:$0x4];
	[sflag:s0] =	ssyncset.done $0x0  }
0x5d: {  	[sflag:s0] =	ssyncadd.s32 $0xFFFFF000;
	s8 =	sadd.s32 $0x0, s9  }
0x5e: {  	[hbm4b:s8+s3] =	stream.linear.scatter [tilespmem:s23], [sflag:$0x8], $0x1000, $0x38;
	[tilespmem:$0x6900] =	vst v63  }
0x5f: {  	_ =	swait.ge [sflag:s22], $0x1000  }
0x60: {  	[sflag:s22] =	ssyncset.done $0x0  }
0x61: {  	s10 =	simm.s32 $0x580;
	[sflag:s22] =	ssyncadd.s32 $0xFFFFF000  }
0x62: {  	[tilespmem:s21], [sflag:$0x2] =	stream.indirect.gather [hbm4b:s2+s19], $0x20, s10, s19, $0xb8;
	[tilespmem:$0x6900] =	vst v63  }
0x63: {  	_ =	swait.ge [sflag:s28], $0x1000  }
0x64: {  	s5 =	rddreg [dreg:$0x3];
	[sflag:s28] =	ssyncset.done $0x0  }
0x65: {  	[sflag:s28] =	ssyncadd.s32 $0xFFFFF000;
	s8 =	sadd.s32 $0x0, s5  }
0x66: {  	[hbm4b:s8+s3] =	stream.linear.scatter [tilespmem:s25], [sflag:$0x9], $0x1000, $0x38;
	[tilespmem:$0x6900] =	vst v63  }
0x67: {  	_ =	swait.ge [sflag:s1], $0x1000  }
0x68: {  	[sflag:s1] =	ssyncset.done $0x0  }
0x69: {  	s9 =	simm.s32 $0x600;
	[sflag:s1] =	ssyncadd.s32 $0xFFFFF000  }
0x6a: {  	[tilespmem:s23], [sflag:$0x3] =	stream.indirect.gather [hbm4b:s2+s19], $0x20, s9, s19, $0xb8;
	[tilespmem:$0x6900] =	vst v63  }
0x6b: {  	_ =	swait.ge [sflag:s24], $0x1000  }
0x6c: {  	[sflag:s24] =	ssyncset.done $0x0  }
0x6d: {  	s10 =	sadd.s32 $0x0, s16;
	[sflag:s24] =	ssyncadd.s32 $0xFFFFF000  }
0x6e: {  	[hbm4b:s10+s3] =	stream.linear.scatter [tilespmem:s29], [sflag:$0xA], $0x1000, $0x38;
	[tilespmem:$0x6900] =	vst v63  }
0x6f: {  	_ =	swait.ge [sflag:s4], $0x1000  }
0x70: {  	[sflag:s4] =	ssyncset.done $0x0  }
0x71: {  	s8 =	simm.s32 $0xA00;
	s9 =	simm.s32 $0x680;
	[sflag:s4] =	ssyncadd.s32 $0xFFFFF000  }
.LBB2_2:
0x72: {  	[tilespmem:s25], [sflag:$0x4] =	stream.indirect.gather [hbm4b:s2+s19], $0x20, s9, s19, $0xb8;
	[tilespmem:$0x6900] =	vst v63  }
0x73: {  	_ =	swait.ge [sflag:s26], $0x1000  }
0x74: {  	s9 =	smov.u32 s8;
	[sflag:s26] =	ssyncset.done $0x0  }
0x75: {  	s10 =	sadd.s32 s9, s17;
	[sflag:s26] =	ssyncadd.s32 $0xFFFFF000  }
0x76: {  	[hbm4b:s10+s3] =	stream.linear.scatter [tilespmem:s20], [sflag:$0x6], $0x1000, $0x38;
	[tilespmem:$0x6900] =	vst v63  }
0x77: {  	_ =	swait.ge [sflag:s6], $0x1000  }
0x78: {  	s10 =	sshra.s32 s9, $0x2;
	[sflag:s6] =	ssyncset.done $0x0  }
0x79: {  	s5 =	sadd.s32 $0x480, s10;
	[sflag:s6] =	ssyncadd.s32 $0xFFFFF000  }
0x7a: {  	[tilespmem:s29], [sflag:$0x5] =	stream.indirect.gather [hbm4b:s2+s19], $0x20, s5, s19, $0xb8;
	[tilespmem:$0x6900] =	vst v63  }
0x7b: {  	_ =	swait.ge [sflag:s30], $0x1000  }
0x7c: {  	s5 =	rddreg [dreg:$0x5];
	[sflag:s30] =	ssyncset.done $0x0  }
0x7d: {  	[sflag:s30] =	ssyncadd.s32 $0xFFFFF000;
	s5 =	sadd.s32 s9, s5  }
0x7e: {  	[hbm4b:s5+s3] =	stream.linear.scatter [tilespmem:s21], [sflag:$0x7], $0x1000, $0x38;
	[tilespmem:$0x6900] =	vst v63  }
0x7f: {  	_ =	swait.ge [sflag:s31], $0x1000  }
0x80: {  	[sflag:s31] =	ssyncset.done $0x0  }
0x81: {  	s5 =	sadd.s32 $0x500, s10;
	[sflag:s31] =	ssyncadd.s32 $0xFFFFF000  }
0x82: {  	[tilespmem:s20], [sflag:$0x1] =	stream.indirect.gather [hbm4b:s2+s19], $0x20, s5, s19, $0xb8;
	[tilespmem:$0x6900] =	vst v63  }
0x83: {  	_ =	swait.ge [sflag:s0], $0x1000  }
0x84: {  	s5 =	rddreg [dreg:$0x4];
	[sflag:s0] =	ssyncset.done $0x0  }
0x85: {  	[sflag:s0] =	ssyncadd.s32 $0xFFFFF000;
	s5 =	sadd.s32 s9, s5  }
0x86: {  	[hbm4b:s5+s3] =	stream.linear.scatter [tilespmem:s23], [sflag:$0x8], $0x1000, $0x38;
	[tilespmem:$0x6900] =	vst v63  }
0x87: {  	_ =	swait.ge [sflag:s22], $0x1000  }
0x88: {  	[sflag:s22] =	ssyncset.done $0x0  }
0x89: {  	s5 =	sadd.s32 $0x580, s10;
	[sflag:s22] =	ssyncadd.s32 $0xFFFFF000  }
0x8a: {  	[tilespmem:s21], [sflag:$0x2] =	stream.indirect.gather [hbm4b:s2+s19], $0x20, s5, s19, $0xb8;
	[tilespmem:$0x6900] =	vst v63  }
0x8b: {  	_ =	swait.ge [sflag:s28], $0x1000  }
0x8c: {  	s5 =	rddreg [dreg:$0x3];
	[sflag:s28] =	ssyncset.done $0x0  }
0x8d: {  	[sflag:s28] =	ssyncadd.s32 $0xFFFFF000;
	s5 =	sadd.s32 s9, s5  }
0x8e: {  	[hbm4b:s5+s3] =	stream.linear.scatter [tilespmem:s25], [sflag:$0x9], $0x1000, $0x38;
	[tilespmem:$0x6900] =	vst v63  }
0x8f: {  	_ =	swait.ge [sflag:s1], $0x1000  }
0x90: {  	[sflag:s1] =	ssyncset.done $0x0  }
0x91: {  	s5 =	sadd.s32 $0x600, s10;
	[sflag:s1] =	ssyncadd.s32 $0xFFFFF000  }
0x92: {  	[tilespmem:s23], [sflag:$0x3] =	stream.indirect.gather [hbm4b:s2+s19], $0x20, s5, s19, $0xb8;
	[tilespmem:$0x6900] =	vst v63  }
0x93: {  	_ =	swait.ge [sflag:s24], $0x1000  }
0x94: {  	p0 =	sne.s32 s8, $0x4600;
	[sflag:s24] =	ssyncset.done $0x0  }
.Ltmp0:
0x95: {  	s9 =	sadd.s32 s9, s16;
	[sflag:s24] =	ssyncadd.s32 $0xFFFFF000;
	(pc) =	sbr.rel @p0 .LBB2_2-.Ltmp0, $4  }
0x96: {  	[hbm4b:s9+s3] =	stream.linear.scatter [tilespmem:s29], [sflag:$0xA], $0x1000, $0x38;
	[tilespmem:$0x6900] =	vst v63  }
0x97: {  	_ =	swait.ge [sflag:s4], $0x1000  }
0x98: {  	[sflag:s4] =	ssyncset.done $0x0  }
0x99: {  	s8 =	sadd.s32 $0xA00, s8;
	s9 =	sadd.s32 $0x680, s10;
	[sflag:s4] =	ssyncadd.s32 $0xFFFFF000  }
0x9a: {  	[tilespmem:s25], [sflag:$0x4] =	stream.indirect.gather [hbm4b:s2+s19], $0x20, s9, s19, $0xb8;
	[tilespmem:$0x6900] =	vst v63  }
0x9b: {  	_ =	swait.ge [sflag:s26], $0x1000  }
0x9c: {  	[sflag:s26] =	ssyncset.done $0x0  }
0x9d: {  	s5 =	rddreg [dreg:$0xc];
	[sflag:s26] =	ssyncadd.s32 $0xFFFFF000  }
0x9e: {  	[hbm4b:s5+s3] =	stream.linear.scatter [tilespmem:s20], [sflag:$0x6], $0x1000, $0x38;
	[tilespmem:$0x6900] =	vst v63  }
0x9f: {  	_ =	swait.ge [sflag:s6], $0x1000  }
0xa0: {  	[sflag:s6] =	ssyncset.done $0x0  }
0xa1: {  	s10 =	simm.s32 $0x1880;
	[sflag:s6] =	ssyncadd.s32 $0xFFFFF000  }
0xa2: {  	[tilespmem:s29], [sflag:$0x5] =	stream.indirect.gather [hbm4b:s2+s19], $0x20, s10, s19, $0xb8;
	[tilespmem:$0x6900] =	vst v63  }
0xa3: {  	_ =	swait.ge [sflag:s30], $0x1000  }
0xa4: {  	[sflag:s30] =	ssyncset.done $0x0  }
0xa5: {  	[sflag:s30] =	ssyncadd.s32 $0xFFFFF000  }
0xa6: {  	[hbm4b:s11+s3] =	stream.linear.scatter [tilespmem:s21], [sflag:$0x7], $0x1000, $0x38;
	[tilespmem:$0x6900] =	vst v63  }
0xa7: {  	_ =	swait.ge [sflag:s0], $0x1000  }
0xa8: {  	[sflag:s0] =	ssyncset.done $0x0  }
0xa9: {  	[sflag:s0] =	ssyncadd.s32 $0xFFFFF000  }
0xaa: {  	[hbm4b:s12+s3] =	stream.linear.scatter [tilespmem:s23], [sflag:$0x8], $0x1000, $0x38;
	[tilespmem:$0x6900] =	vst v63  }
0xab: {  	_ =	swait.ge [sflag:s28], $0x1000  }
0xac: {  	[sflag:s28] =	ssyncset.done $0x0  }
0xad: {  	[sflag:s28] =	ssyncadd.s32 $0xFFFFF000  }
0xae: {  	[hbm4b:s13+s3] =	stream.linear.scatter [tilespmem:s25], [sflag:$0x9], $0x1000, $0x38;
	[tilespmem:$0x6900] =	vst v63  }
0xaf: {  	_ =	swait.ge [sflag:s24], $0x1000  }
0xb0: {  	[sflag:s24] =	ssyncset.done $0x0  }
0xb1: {  	[sflag:s24] =	ssyncadd.s32 $0xFFFFF000  }
0xb2: {  	[hbm4b:s14+s3] =	stream.linear.scatter [tilespmem:s29], [sflag:$0xA], $0x1000, $0x38;
	[tilespmem:$0x6900] =	vst v63  }
0xb3: {  	_ =	swait.ge [sflag:s31], $0x1000  }
0xb4: {  	[sflag:s31] =	ssyncset.done $0x0  }
0xb5: {  	[sflag:s31] =	ssyncadd.s32 $0xFFFFF000  }
0xb6: {  	_ =	swait.ge [sflag:s22], $0x1000  }
0xb7: {  	[sflag:s22] =	ssyncset.done $0x0  }
0xb8: {  	[sflag:s22] =	ssyncadd.s32 $0xFFFFF000  }
0xb9: {  	_ =	swait.ge [sflag:s1], $0x1000  }
0xba: {  	[sflag:s1] =	ssyncset.done $0x0  }
0xbb: {  	s7 =	sadd.s32 $0x1, s7;
	[sflag:s1] =	ssyncadd.s32 $0xFFFFF000  }
0xbc: {  	p0 =	sne.s32 s7, s15;
	_ =	swait.ge [sflag:s4], $0x1000  }
.Ltmp1:
0xbd: {  	[sflag:s4] =	ssyncset.done $0x0;
	(pc) =	sbr.rel @p0 .LBB2_1-.Ltmp1, $4  }
0xbe: {  	[sflag:s4] =	ssyncadd.s32 $0xFFFFF000  }
0xbf: {  	_ =	swait.ge [sflag:s6], $0x1000  }
0xc0: {  	[sflag:s6] =	ssyncset.done $0x0  }
0xc1: {  	[sflag:s6] =	ssyncadd.s32 $0xFFFFF000  }
0xc2: {  	_ =	sfence.sel $0x180000  }
0xc3: {  	[bflag:$0x0] =	sbarrier.arrive $0xFFFF  }
0xc4: {  	_ =	strace $0x90000047  }
0xc5: {  	s0 =	stileid.u32;
	[bflag:$0x2] =	sbarrier.arrive $0xFFFF  }
0xc6: {  	p0 =	sne.s32 s0, $0x0;
	s0 =	rddreg [dreg:$0x2]  }
0xc7: {  	s0 =	sadd.s32 @!p0 $0x100000, s0  }
0xc8: {  	[sflag:s0] =	ssyncadd.tile.s32 @!p0 $0x1;
	_ =	shalt  }
.Lfunc_end2:
_tile_overlayer_lowered:
.L_overlay_start_2:
0xc9: {  	(tag) =	ssettag $0x2  }
0xca: {  	s0 =	rddreg [dreg:$0x0];
	s2 =	stileid.u32  }
0xcb: {  	s1 =	rddreg [dreg:$0x1];
	p0 =	sne.s32 s2, $0x0  }
0xcc: {  	s3 =	rddreg [dreg:$0x2];
	[bflag:$0x3] =	sbarrier.arrive $0xFFFF;
	s2 =	simm.s32 @!p0 $0x1C0B  }
0xcd: {  	[timem:s3], [sflag:s2] =	dma.local @!p0 [hbm:s0], s1  }
0xce: {  	s0 =	simm.s32 @!p0 $0xB  }
0xcf: {  	_ =	swait.ge @!p0 [sflag:s0], s1  }
0xd0: {  	s1 =	ssub.s32 @!p0 $0x0, s1;
	[sflag:s0] =	ssyncset.done @!p0 $0x0  }
0xd1: {  	[sflag:s0] =	ssyncadd.s32 @!p0 s1  }
0xd2: {  	[bflag:$0x3] =	sbarrier.arrive $0xFFFF  }
0xd3: {  	_ =	shalt  }

</sc_bundles>
